<compile_context>
chip_gen: v7x
topology: tpu7x:2x2x1
jax: 0.10.2.dev20260603
libtpu: 0.0.44.dev20260713+nightly
codegen_flags: <defaults>
</compile_context>

<pallas_src>
import functools

import jax
import jax.numpy as jnp
from jax import lax
from jax.experimental import pallas as pl
from jax.experimental.pallas import tpu as pltpu
from jax.experimental.pallas import tpu_sc as plsc

_BATCH = 16384
_FIELDS = 26
_N = _BATCH * _FIELDS
_TBL = 1216
_NKEYS = 1000
_NC, _NS, _L = 2, 16, 16
_NW = _NC * _NS
_CHUNK = _N // _NW
_ROWS = _BATCH // _NW
_SUB = 4
_SRO = _ROWS // _SUB
_SCH = _CHUNK // _SUB

_mesh = plsc.VectorSubcoreMesh(core_axis_name="c", subcore_axis_name="s")


@functools.partial(
    pl.kernel,
    mesh=_mesh,
    compiler_params=pltpu.CompilerParams(needs_layout_passes=False),
    out_type=jax.ShapeDtypeStruct((_BATCH, _FIELDS), jnp.int32),
    scratch_types=[
        pltpu.VMEM((_TBL,), jnp.int32),
        pltpu.VMEM((_NKEYS,), jnp.int32),
        pltpu.VMEM((_NKEYS,), jnp.int32),
        pltpu.VMEM((2, _SRO, _FIELDS), jnp.int32),
        pltpu.VMEM((2, _SRO, _FIELDS), jnp.int32),
        pltpu.SemaphoreType.DMA((2,)),
        pltpu.SemaphoreType.DMA((2,)),
    ],
)
def _lookup(in_hbm, keys_hbm, vals_hbm, out_hbm,
            table_v, keys_v, vals_v, in_v, out_v, sem_in, sem_out):
    wid = lax.axis_index("s") * _NC + lax.axis_index("c")
    row0 = wid * _ROWS

    in_dma = [None, None]
    for s in range(2):
        in_dma[s] = pltpu.async_copy(
            in_hbm.at[pl.ds(row0 + s * _SRO, _SRO), :], in_v.at[s],
            sem_in.at[s])

    pltpu.sync_copy(keys_hbm, keys_v)
    pltpu.sync_copy(vals_hbm, vals_v)

    zero = jnp.zeros((_L,), jnp.int32)

    @plsc.parallel_loop(0, _TBL // _L, unroll=8)
    def _zero_table(i):
        table_v[pl.ds(i * _L, _L)] = zero

    @plsc.parallel_loop(0, _NKEYS // _L, unroll=4)
    def _fill_table(i):
        k = keys_v[pl.ds(i * _L, _L)]
        v = vals_v[pl.ds(i * _L, _L)]
        plsc.store_scatter(table_v, [k], v)

    if _NKEYS % _L:
        k = keys_v[pl.ds(_NKEYS - _L, _L)]
        v = vals_v[pl.ds(_NKEYS - _L, _L)]
        plsc.store_scatter(table_v, [k], v)

    lanes = lax.iota(jnp.int32, _L)
    out_dma = [None, None]
    for s in range(_SUB):
        b = s % 2
        in_dma[b].wait()
        if out_dma[b] is not None:
            out_dma[b].wait()
        src = in_v.at[b]
        dst = out_v.at[b]

        @plsc.parallel_loop(0, _SCH // _L, unroll=16)
        def _gather(i):
            e = i * _L + lanes
            row = e // _FIELDS
            col = e - row * _FIELDS
            x = plsc.load_gather(src, [row, col])
            looked = plsc.load_gather(table_v, [x])
            plsc.store_scatter(dst, [row, col], looked)

        out_dma[b] = pltpu.async_copy(
            dst, out_hbm.at[pl.ds(row0 + s * _SRO, _SRO), :], sem_out.at[b])
        if s + 2 < _SUB:
            in_dma[b] = pltpu.async_copy(
                in_hbm.at[pl.ds(row0 + (s + 2) * _SRO, _SRO), :],
                in_v.at[b], sem_in.at[b])

    out_dma[0].wait()
    out_dma[1].wait()


@jax.jit
def kernel(inputs, keys, vals):
    values = _lookup(inputs, keys, vals)
    mask = inputs != 0
    return values, mask

# --- scband reference (transcript-rebuilt; emitter-appended) ---
"""Pipeline reference for scband-sparse-vocab-layer-38173669327144 (READ-ONLY COPY).

The authoritative reference and input builder live on the scoring server;
editing this copy changes nothing except your own understanding.
"""

import jax, jax.numpy as jnp
import numpy as np

VOCAB = 1000
MAX_KEY = 1200  # inputs drawn from [0, 1201); 0 acts as the 'empty' sentinel (TF '' string)
BATCH = 16384
FIELDS = 26


def setup_inputs(seed: int = 0) -> dict:
    key = jax.random.key(seed)
    # int key-ids standing in for the original string tokens; 0 == empty string
    inputs = jax.random.randint(key, (BATCH, FIELDS), 0, MAX_KEY + 1, dtype=jnp.int32)
    # StaticHashTable: keys -> vals where vals = 1..VOCAB, default 0 for missing keys
    keys = jnp.arange(1, VOCAB + 1, dtype=jnp.int32)
    vals = jnp.arange(1, VOCAB + 1, dtype=jnp.int32)
    return {"inputs": inputs, "keys": keys, "vals": vals}


def reference(inputs, keys, vals):
    # Build dense lookup array emulating tf.lookup.StaticHashTable with default 0.
    table = jnp.zeros((MAX_KEY + 1,), dtype=vals.dtype).at[keys].set(vals)
    # tf.where(tf.not_equal(inputs, '')) -> mask of non-empty entries
    mask = inputs != 0
    # table.lookup(values) on the gathered (non-empty) entries; out-of-vocab -> default 0
    idx = jnp.clip(inputs, 0, MAX_KEY)
    looked = jnp.take(table, idx, axis=0)
    # Dense encoding of the output SparseTensor: values where mask, 0 elsewhere,
    # plus the mask itself (equivalent to the sparse indices set).
    values = jnp.where(mask, looked, jnp.zeros((), dtype=vals.dtype))
    return values, mask

if __name__ == "__main__":
    import jax
    _d = setup_inputs()
    print(jax.jit(kernel)(*tuple(_d.values())))

</pallas_src>

<mosaic_0001>
#map = affine_map<(d0, d1) -> (0, 0)>
#map1 = affine_map<(d0, d1) -> (0)>
module attributes {stable_mosaic.version = 14 : i64} {
  func.func @_lookup(%arg0: i32, %arg1: i32, %arg2: memref<16384x26xi32, #tpu.memory_space<hbm>>, %arg3: memref<1000xi32, #tpu.memory_space<hbm>>, %arg4: memref<1000xi32, #tpu.memory_space<hbm>>, %arg5: memref<16384x26xi32, #tpu.memory_space<hbm>>, %arg6: memref<1216xi32, #tpu.memory_space<vmem>>, %arg7: memref<1000xi32, #tpu.memory_space<vmem>>, %arg8: memref<1000xi32, #tpu.memory_space<vmem>>, %arg9: memref<2x128x26xi32, #tpu.memory_space<vmem>>, %arg10: memref<2x128x26xi32, #tpu.memory_space<vmem>>, %arg11: memref<2x!tpu.dma_semaphore, #tpu.memory_space<semaphore_mem>>, %arg12: memref<2x!tpu.dma_semaphore, #tpu.memory_space<semaphore_mem>>) attributes {dimension_semantics = [#tpu.dimension_semantics<core_parallel>, #tpu.dimension_semantics<subcore_parallel>], iteration_bounds = array<i64: 2, 16>, scalar_prefetch = 0 : i64, scratch_operands = 7 : i64, tpu.core_type = #tpu.core_type<sc_vector_subcore>, window_params = [{transform_indices = #map}, {transform_indices = #map1}, {transform_indices = #map1}, {transform_indices = #map}]} {
    %mul3A = arith.constant 2 : i32
    %mul3A_0 = arith.muli %arg1, %mul3A : i32
    %add3A = arith.addi %mul3A_0, %arg0 : i32
    %mul3A_1 = arith.constant 512 : i32
    %mul3A_2 = arith.muli %add3A, %mul3A_1 : i32
    %add3A_3 = arith.constant 0 : i32
    %add3A_4 = arith.addi %mul3A_2, %add3A_3 : i32
    %dma_start3A = arith.constant 0 : i32
    %dma_start3A_5 = arith.constant 0 : i32
    %dma_start3A_6 = arith.constant 0 : i32
    %dma_start3A_7 = arith.constant 0 : i32
    %dma_start3A_8 = tpu.memref_slice %arg9[%dma_start3A, %dma_start3A_6, %dma_start3A_7] : memref<2x128x26xi32, #tpu.memory_space<vmem>> -> memref<1x128x26xi32, #tpu.memory_space<vmem>>
    %dma_start3A_9 = tpu.memref_squeeze %dma_start3A_8 : memref<1x128x26xi32, #tpu.memory_space<vmem>> -> memref<128x26xi32, #tpu.memory_space<vmem>>
    %dma_start3A_10 = arith.constant 0 : i32
    %dma_start3A_11 = tpu.memref_slice %arg2[%add3A_4, %dma_start3A_10] : memref<16384x26xi32, #tpu.memory_space<hbm>> -> memref<128x26xi32, #tpu.memory_space<hbm>>
    %dma_start3A_12 = tpu.memref_slice %arg11[%dma_start3A_5] : memref<2x!tpu.dma_semaphore, #tpu.memory_space<semaphore_mem>> -> memref<1x!tpu.dma_semaphore, #tpu.memory_space<semaphore_mem>>
    %dma_start3A_13 = tpu.memref_squeeze %dma_start3A_12 : memref<1x!tpu.dma_semaphore, #tpu.memory_space<semaphore_mem>> -> memref<!tpu.dma_semaphore, #tpu.memory_space<semaphore_mem>>
    %dma_start3A_14 = arith.constant 0 : i32
    %dma_start3A_15 = arith.constant 0 : i32
    %dma_start3A_16 = tpu.memref_slice %arg9[%dma_start3A, %dma_start3A_14, %dma_start3A_15] : memref<2x128x26xi32, #tpu.memory_space<vmem>> -> memref<1x128x26xi32, #tpu.memory_space<vmem>>
    %dma_start3A_17 = tpu.memref_squeeze %dma_start3A_16 : memref<1x128x26xi32, #tpu.memory_space<vmem>> -> memref<128x26xi32, #tpu.memory_space<vmem>>
    %dma_start3A_18 = arith.constant 0 : i32
    %dma_start3A_19 = tpu.memref_slice %arg2[%add3A_4, %dma_start3A_18] : memref<16384x26xi32, #tpu.memory_space<hbm>> -> memref<128x26xi32, #tpu.memory_space<hbm>>
    tpu.enqueue_dma source(%dma_start3A_19 : memref<128x26xi32, #tpu.memory_space<hbm>>) target(%dma_start3A_17 : memref<128x26xi32, #tpu.memory_space<vmem>>) target_semaphore(%dma_start3A_13 : memref<!tpu.dma_semaphore, #tpu.memory_space<semaphore_mem>>)
    %add3A_20 = arith.constant 128 : i32
    %add3A_21 = arith.addi %mul3A_2, %add3A_20 : i32
    %dma_start3A_22 = arith.constant 1 : i32
    %dma_start3A_23 = arith.constant 1 : i32
    %dma_start3A_24 = arith.constant 0 : i32
    %dma_start3A_25 = arith.constant 0 : i32
    %dma_start3A_26 = tpu.memref_slice %arg9[%dma_start3A_22, %dma_start3A_24, %dma_start3A_25] : memref<2x128x26xi32, #tpu.memory_space<vmem>> -> memref<1x128x26xi32, #tpu.memory_space<vmem>>
    %dma_start3A_27 = tpu.memref_squeeze %dma_start3A_26 : memref<1x128x26xi32, #tpu.memory_space<vmem>> -> memref<128x26xi32, #tpu.memory_space<vmem>>
    %dma_start3A_28 = arith.constant 0 : i32
    %dma_start3A_29 = tpu.memref_slice %arg2[%add3A_21, %dma_start3A_28] : memref<16384x26xi32, #tpu.memory_space<hbm>> -> memref<128x26xi32, #tpu.memory_space<hbm>>
    %dma_start3A_30 = tpu.memref_slice %arg11[%dma_start3A_23] : memref<2x!tpu.dma_semaphore, #tpu.memory_space<semaphore_mem>> -> memref<1x!tpu.dma_semaphore, #tpu.memory_space<semaphore_mem>>
    %dma_start3A_31 = tpu.memref_squeeze %dma_start3A_30 : memref<1x!tpu.dma_semaphore, #tpu.memory_space<semaphore_mem>> -> memref<!tpu.dma_semaphore, #tpu.memory_space<semaphore_mem>>
    %dma_start3A_32 = arith.constant 0 : i32
    %dma_start3A_33 = arith.constant 0 : i32
    %dma_start3A_34 = tpu.memref_slice %arg9[%dma_start3A_22, %dma_start3A_32, %dma_start3A_33] : memref<2x128x26xi32, #tpu.memory_space<vmem>> -> memref<1x128x26xi32, #tpu.memory_space<vmem>>
    %dma_start3A_35 = tpu.memref_squeeze %dma_start3A_34 : memref<1x128x26xi32, #tpu.memory_space<vmem>> -> memref<128x26xi32, #tpu.memory_space<vmem>>
    %dma_start3A_36 = arith.constant 0 : i32
    %dma_start3A_37 = tpu.memref_slice %arg2[%add3A_21, %dma_start3A_36] : memref<16384x26xi32, #tpu.memory_space<hbm>> -> memref<128x26xi32, #tpu.memory_space<hbm>>
    tpu.enqueue_dma source(%dma_start3A_37 : memref<128x26xi32, #tpu.memory_space<hbm>>) target(%dma_start3A_35 : memref<128x26xi32, #tpu.memory_space<vmem>>) target_semaphore(%dma_start3A_31 : memref<!tpu.dma_semaphore, #tpu.memory_space<semaphore_mem>>)
    "tpu.region"() ({
      %run_scoped3A = tpu.sem_alloc : memref<!tpu.dma_semaphore, #tpu.memory_space<semaphore_mem>>
      tpu.enqueue_dma source(%arg3 : memref<1000xi32, #tpu.memory_space<hbm>>) target(%arg7 : memref<1000xi32, #tpu.memory_space<vmem>>) target_semaphore(%run_scoped3A : memref<!tpu.dma_semaphore, #tpu.memory_space<semaphore_mem>>)
      tpu.wait_dma2 semaphore(%run_scoped3A : memref<!tpu.dma_semaphore, #tpu.memory_space<semaphore_mem>>) src(%arg3 : memref<1000xi32, #tpu.memory_space<hbm>>) dst(%arg7 : memref<1000xi32, #tpu.memory_space<vmem>>)
      tpu.yield
    }) : () -> ()
    "tpu.region"() ({
      %run_scoped3A = tpu.sem_alloc : memref<!tpu.dma_semaphore, #tpu.memory_space<semaphore_mem>>
      tpu.enqueue_dma source(%arg4 : memref<1000xi32, #tpu.memory_space<hbm>>) target(%arg8 : memref<1000xi32, #tpu.memory_space<vmem>>) target_semaphore(%run_scoped3A : memref<!tpu.dma_semaphore, #tpu.memory_space<semaphore_mem>>)
      tpu.wait_dma2 semaphore(%run_scoped3A : memref<!tpu.dma_semaphore, #tpu.memory_space<semaphore_mem>>) src(%arg4 : memref<1000xi32, #tpu.memory_space<hbm>>) dst(%arg8 : memref<1000xi32, #tpu.memory_space<vmem>>)
      tpu.yield
    }) : () -> ()
    %broadcast_in_dim3A = arith.constant 0 : i32
    %broadcast_in_dim3A_38 = vector.broadcast %broadcast_in_dim3A : i32 to vector<16xi32>
    %parallel_loop3A = arith.constant 0 : i32
    %parallel_loop3A_39 = arith.constant 76 : i32
    %parallel_loop3A_40 = arith.constant 1 : i32
    scf.for %parallel_loop3A_302 = %parallel_loop3A to %parallel_loop3A_39 step %parallel_loop3A_40  : i32 {
      %parallel_loop3A_303 = arith.constant 16 : i32
      %parallel_loop3A_304 = arith.muli %parallel_loop3A_302, %parallel_loop3A_303 : i32
      %parallel_loop3A_305 = arith.index_cast %parallel_loop3A_304 : i32 to index
      %parallel_loop3A_306 = tpu.vector_load %arg6[%parallel_loop3A_305] {strides = array<i32>} : memref<1216xi32, #tpu.memory_space<vmem>>, vector<16xi32>,
      tpu.vector_store %arg6[%parallel_loop3A_305], %broadcast_in_dim3A_38 {strides = array<i32>} : memref<1216xi32, #tpu.memory_space<vmem>>, vector<16xi32>,
    } {sc.loop_unroll_factor = 8 : i64, sc.parallel_access}
    %parallel_loop3A_41 = arith.constant 0 : i32
    %parallel_loop3A_42 = arith.constant 62 : i32
    %parallel_loop3A_43 = arith.constant 1 : i32
    scf.for %parallel_loop3A_302 = %parallel_loop3A_41 to %parallel_loop3A_42 step %parallel_loop3A_43  : i32 {
      %parallel_loop3A_303 = arith.constant 16 : i32
      %parallel_loop3A_304 = arith.muli %parallel_loop3A_302, %parallel_loop3A_303 : i32
      %parallel_loop3A_305 = arith.index_cast %parallel_loop3A_304 : i32 to index
      %parallel_loop3A_306 = tpu.vector_load %arg7[%parallel_loop3A_305] {strides = array<i32>} : memref<1000xi32, #tpu.memory_space<vmem>>, vector<16xi32>,
      %parallel_loop3A_307 = arith.constant 16 : i32
      %parallel_loop3A_308 = arith.muli %parallel_loop3A_302, %parallel_loop3A_307 : i32
      %parallel_loop3A_309 = arith.index_cast %parallel_loop3A_308 : i32 to index
      %parallel_loop3A_310 = tpu.vector_load %arg8[%parallel_loop3A_309] {strides = array<i32>} : memref<1000xi32, #tpu.memory_space<vmem>>, vector<16xi32>,
      tpu.vector_store_idx %arg6[%parallel_loop3A_306], %parallel_loop3A_310 : memref<1216xi32, #tpu.memory_space<vmem>>[vector<16xi32>], vector<16xi32>,
    } {sc.loop_unroll_factor = 4 : i64, sc.parallel_access}
    %get3A = arith.constant 984 : index
    %get3A_44 = tpu.vector_load %arg7[%get3A] {strides = array<i32>} : memref<1000xi32, #tpu.memory_space<vmem>>, vector<16xi32>,
    %get3A_45 = arith.constant 984 : index
    %get3A_46 = tpu.vector_load %arg8[%get3A_45] {strides = array<i32>} : memref<1000xi32, #tpu.memory_space<vmem>>, vector<16xi32>,
    tpu.vector_store_idx %arg6[%get3A_44], %get3A_46 : memref<1216xi32, #tpu.memory_space<vmem>>[vector<16xi32>], vector<16xi32>,
    %iota3A = tpu.iota {dimensions = array<i32: 0>} : vector<16xi32>
    %dma_wait3A = arith.constant 0 : i32
    %dma_wait3A_47 = arith.constant 0 : i32
    %dma_wait3A_48 = arith.constant 0 : i32
    %dma_wait3A_49 = arith.constant 0 : i32
    %dma_wait3A_50 = tpu.memref_slice %arg9[%dma_wait3A, %dma_wait3A_48, %dma_wait3A_49] : memref<2x128x26xi32, #tpu.memory_space<vmem>> -> memref<1x128x26xi32, #tpu.memory_space<vmem>>
    %dma_wait3A_51 = tpu.memref_squeeze %dma_wait3A_50 : memref<1x128x26xi32, #tpu.memory_space<vmem>> -> memref<128x26xi32, #tpu.memory_space<vmem>>
    %dma_wait3A_52 = arith.constant 0 : i32
    %dma_wait3A_53 = tpu.memref_slice %arg2[%add3A_4, %dma_wait3A_52] : memref<16384x26xi32, #tpu.memory_space<hbm>> -> memref<128x26xi32, #tpu.memory_space<hbm>>
    %dma_wait3A_54 = tpu.memref_slice %arg11[%dma_wait3A_47] : memref<2x!tpu.dma_semaphore, #tpu.memory_space<semaphore_mem>> -> memref<1x!tpu.dma_semaphore, #tpu.memory_space<semaphore_mem>>
    %dma_wait3A_55 = tpu.memref_squeeze %dma_wait3A_54 : memref<1x!tpu.dma_semaphore, #tpu.memory_space<semaphore_mem>> -> memref<!tpu.dma_semaphore, #tpu.memory_space<semaphore_mem>>
    %dma_wait3A_56 = arith.constant 0 : i32
    %dma_wait3A_57 = arith.constant 0 : i32
    %dma_wait3A_58 = tpu.memref_slice %arg9[%dma_wait3A, %dma_wait3A_56, %dma_wait3A_57] : memref<2x128x26xi32, #tpu.memory_space<vmem>> -> memref<1x128x26xi32, #tpu.memory_space<vmem>>
    %dma_wait3A_59 = tpu.memref_squeeze %dma_wait3A_58 : memref<1x128x26xi32, #tpu.memory_space<vmem>> -> memref<128x26xi32, #tpu.memory_space<vmem>>
    %dma_wait3A_60 = arith.constant 0 : i32
    %dma_wait3A_61 = tpu.memref_slice %arg2[%add3A_4, %dma_wait3A_60] : memref<16384x26xi32, #tpu.memory_space<hbm>> -> memref<128x26xi32, #tpu.memory_space<hbm>>
    tpu.wait_dma2 semaphore(%dma_wait3A_55 : memref<!tpu.dma_semaphore, #tpu.memory_space<semaphore_mem>>) src(%dma_wait3A_61 : memref<128x26xi32, #tpu.memory_space<hbm>>) dst(%dma_wait3A_59 : memref<128x26xi32, #tpu.memory_space<vmem>>)
    %parallel_loop3A_62 = arith.constant 0 : i32
    %parallel_loop3A_63 = arith.constant 208 : i32
    %parallel_loop3A_64 = arith.constant 1 : i32
    %parallel_loop3A_65 = arith.constant 0 : i32
    %parallel_loop3A_66 = arith.constant 0 : i32
    scf.for %parallel_loop3A_302 = %parallel_loop3A_62 to %parallel_loop3A_63 step %parallel_loop3A_64  : i32 {
      %parallel_loop3A_303 = arith.constant 16 : i32
      %parallel_loop3A_304 = arith.muli %parallel_loop3A_302, %parallel_loop3A_303 : i32
      %parallel_loop3A_305 = vector.broadcast %parallel_loop3A_304 : i32 to vector<16xi32>
      %parallel_loop3A_306 = arith.addi %parallel_loop3A_305, %iota3A : vector<16xi32>
      %parallel_loop3A_307 = arith.constant 26 : i32
      %parallel_loop3A_308 = vector.broadcast %parallel_loop3A_307 : i32 to vector<16xi32>
      %parallel_loop3A_309 = arith.divsi %parallel_loop3A_306, %parallel_loop3A_308 : vector<16xi32>
      %parallel_loop3A_310 = arith.constant 0 : i32
      %parallel_loop3A_311 = vector.broadcast %parallel_loop3A_310 : i32 to vector<16xi32>
      %parallel_loop3A_312 = arith.cmpi sgt, %parallel_loop3A_306, %parallel_loop3A_311 : vector<16xi32>
      %parallel_loop3A_313 = arith.extui %parallel_loop3A_312 : vector<16xi1> to vector<16xi32>
      %parallel_loop3A_314 = arith.constant 0 : i32
      %parallel_loop3A_315 = vector.broadcast %parallel_loop3A_314 : i32 to vector<16xi32>
      %parallel_loop3A_316 = arith.cmpi slt, %parallel_loop3A_306, %parallel_loop3A_315 : vector<16xi32>
      %parallel_loop3A_317 = arith.extui %parallel_loop3A_316 : vector<16xi1> to vector<16xi32>
      %parallel_loop3A_318 = arith.subi %parallel_loop3A_313, %parallel_loop3A_317 : vector<16xi32>
      %parallel_loop3A_319 = arith.constant 0 : i32
      %parallel_loop3A_320 = arith.cmpi sgt, %parallel_loop3A_307, %parallel_loop3A_319 : i32
      %parallel_loop3A_321 = arith.extui %parallel_loop3A_320 : i1 to i32
      %parallel_loop3A_322 = arith.constant 0 : i32
      %parallel_loop3A_323 = arith.cmpi slt, %parallel_loop3A_307, %parallel_loop3A_322 : i32
      %parallel_loop3A_324 = arith.extui %parallel_loop3A_323 : i1 to i32
      %parallel_loop3A_325 = arith.subi %parallel_loop3A_321, %parallel_loop3A_324 : i32
      %parallel_loop3A_326 = vector.broadcast %parallel_loop3A_325 : i32 to vector<16xi32>
      %parallel_loop3A_327 = arith.cmpi ne, %parallel_loop3A_318, %parallel_loop3A_326 : vector<16xi32>
      %parallel_loop3A_328 = vector.broadcast %parallel_loop3A_307 : i32 to vector<16xi32>
      %parallel_loop3A_329 = arith.remsi %parallel_loop3A_306, %parallel_loop3A_328 : vector<16xi32>
      %parallel_loop3A_330 = arith.constant 0 : i32
      %parallel_loop3A_331 = vector.broadcast %parallel_loop3A_330 : i32 to vector<16xi32>
      %parallel_loop3A_332 = arith.cmpi ne, %parallel_loop3A_329, %parallel_loop3A_331 : vector<16xi32>
      %parallel_loop3A_333 = arith.andi %parallel_loop3A_327, %parallel_loop3A_332 : vector<16xi1>
      %parallel_loop3A_334 = arith.constant 1 : i32
      %parallel_loop3A_335 = vector.broadcast %parallel_loop3A_334 : i32 to vector<16xi32>
      %parallel_loop3A_336 = arith.subi %parallel_loop3A_309, %parallel_loop3A_335 : vector<16xi32>
      %parallel_loop3A_337 = arith.select %parallel_loop3A_333, %parallel_loop3A_336, %parallel_loop3A_309 : vector<16xi1>, vector<16xi32>
      %parallel_loop3A_338 = arith.constant 26 : i32
      %parallel_loop3A_339 = vector.broadcast %parallel_loop3A_338 : i32 to vector<16xi32>
      %parallel_loop3A_340 = arith.muli %parallel_loop3A_337, %parallel_loop3A_339 : vector<16xi32>
      %parallel_loop3A_341 = arith.subi %parallel_loop3A_306, %parallel_loop3A_340 : vector<16xi32>
      %parallel_loop3A_342 = arith.constant 0 : i32
      %parallel_loop3A_343 = arith.constant 0 : i32
      %parallel_loop3A_344 = tpu.memref_slice %arg9[%parallel_loop3A_65, %parallel_loop3A_342, %parallel_loop3A_343] : memref<2x128x26xi32, #tpu.memory_space<vmem>> -> memref<1x128x26xi32, #tpu.memory_space<vmem>>
      %parallel_loop3A_345 = tpu.memref_squeeze %parallel_loop3A_344 : memref<1x128x26xi32, #tpu.memory_space<vmem>> -> memref<128x26xi32, #tpu.memory_space<vmem>>
      %parallel_loop3A_346 = tpu.vector_load_idx %parallel_loop3A_345[%parallel_loop3A_337, %parallel_loop3A_341] : memref<128x26xi32, #tpu.memory_space<vmem>>[vector<16xi32>, vector<16xi32>], vector<16xi32>,
      %parallel_loop3A_347 = tpu.vector_load_idx %arg6[%parallel_loop3A_346] : memref<1216xi32, #tpu.memory_space<vmem>>[vector<16xi32>], vector<16xi32>,
      %parallel_loop3A_348 = arith.constant 0 : i32
      %parallel_loop3A_349 = arith.constant 0 : i32
      %parallel_loop3A_350 = tpu.memref_slice %arg10[%parallel_loop3A_66, %parallel_loop3A_348, %parallel_loop3A_349] : memref<2x128x26xi32, #tpu.memory_space<vmem>> -> memref<1x128x26xi32, #tpu.memory_space<vmem>>
      %parallel_loop3A_351 = tpu.memref_squeeze %parallel_loop3A_350 : memref<1x128x26xi32, #tpu.memory_space<vmem>> -> memref<128x26xi32, #tpu.memory_space<vmem>>
      tpu.vector_store_idx %parallel_loop3A_351[%parallel_loop3A_337, %parallel_loop3A_341], %parallel_loop3A_347 : memref<128x26xi32, #tpu.memory_space<vmem>>[vector<16xi32>, vector<16xi32>], vector<16xi32>,
    } {sc.loop_unroll_factor = 16 : i64, sc.parallel_access}
    %add3A_67 = arith.constant 0 : i32
    %add3A_68 = arith.addi %mul3A_2, %add3A_67 : i32
    %dma_start3A_69 = arith.constant 0 : i32
    %dma_start3A_70 = arith.constant 0 : i32
    %dma_start3A_71 = arith.constant 0 : i32
    %dma_start3A_72 = arith.constant 0 : i32
    %dma_start3A_73 = tpu.memref_slice %arg10[%dma_start3A_69, %dma_start3A_71, %dma_start3A_72] : memref<2x128x26xi32, #tpu.memory_space<vmem>> -> memref<1x128x26xi32, #tpu.memory_space<vmem>>
    %dma_start3A_74 = tpu.memref_squeeze %dma_start3A_73 : memref<1x128x26xi32, #tpu.memory_space<vmem>> -> memref<128x26xi32, #tpu.memory_space<vmem>>
    %dma_start3A_75 = arith.constant 0 : i32
    %dma_start3A_76 = tpu.memref_slice %arg5[%add3A_68, %dma_start3A_75] : memref<16384x26xi32, #tpu.memory_space<hbm>> -> memref<128x26xi32, #tpu.memory_space<hbm>>
    %dma_start3A_77 = tpu.memref_slice %arg12[%dma_start3A_70] : memref<2x!tpu.dma_semaphore, #tpu.memory_space<semaphore_mem>> -> memref<1x!tpu.dma_semaphore, #tpu.memory_space<semaphore_mem>>
    %dma_start3A_78 = tpu.memref_squeeze %dma_start3A_77 : memref<1x!tpu.dma_semaphore, #tpu.memory_space<semaphore_mem>> -> memref<!tpu.dma_semaphore, #tpu.memory_space<semaphore_mem>>
    %dma_start3A_79 = arith.constant 0 : i32
    %dma_start3A_80 = tpu.memref_slice %arg5[%add3A_68, %dma_start3A_79] : memref<16384x26xi32, #tpu.memory_space<hbm>> -> memref<128x26xi32, #tpu.memory_space<hbm>>
    %dma_start3A_81 = arith.constant 0 : i32
    %dma_start3A_82 = arith.constant 0 : i32
    %dma_start3A_83 = tpu.memref_slice %arg10[%dma_start3A_69, %dma_start3A_81, %dma_start3A_82] : memref<2x128x26xi32, #tpu.memory_space<vmem>> -> memref<1x128x26xi32, #tpu.memory_space<vmem>>
    %dma_start3A_84 = tpu.memref_squeeze %dma_start3A_83 : memref<1x128x26xi32, #tpu.memory_space<vmem>> -> memref<128x26xi32, #tpu.memory_space<vmem>>
    tpu.enqueue_dma source(%dma_start3A_84 : memref<128x26xi32, #tpu.memory_space<vmem>>) target(%dma_start3A_80 : memref<128x26xi32, #tpu.memory_space<hbm>>) target_semaphore(%dma_start3A_78 : memref<!tpu.dma_semaphore, #tpu.memory_space<semaphore_mem>>)
    %add3A_85 = arith.constant 256 : i32
    %add3A_86 = arith.addi %mul3A_2, %add3A_85 : i32
    %dma_start3A_87 = arith.constant 0 : i32
    %dma_start3A_88 = arith.constant 0 : i32
    %dma_start3A_89 = arith.constant 0 : i32
    %dma_start3A_90 = arith.constant 0 : i32
    %dma_start3A_91 = tpu.memref_slice %arg9[%dma_start3A_87, %dma_start3A_89, %dma_start3A_90] : memref<2x128x26xi32, #tpu.memory_space<vmem>> -> memref<1x128x26xi32, #tpu.memory_space<vmem>>
    %dma_start3A_92 = tpu.memref_squeeze %dma_start3A_91 : memref<1x128x26xi32, #tpu.memory_space<vmem>> -> memref<128x26xi32, #tpu.memory_space<vmem>>
    %dma_start3A_93 = arith.constant 0 : i32
    %dma_start3A_94 = tpu.memref_slice %arg2[%add3A_86, %dma_start3A_93] : memref<16384x26xi32, #tpu.memory_space<hbm>> -> memref<128x26xi32, #tpu.memory_space<hbm>>
    %dma_start3A_95 = tpu.memref_slice %arg11[%dma_start3A_88] : memref<2x!tpu.dma_semaphore, #tpu.memory_space<semaphore_mem>> -> memref<1x!tpu.dma_semaphore, #tpu.memory_space<semaphore_mem>>
    %dma_start3A_96 = tpu.memref_squeeze %dma_start3A_95 : memref<1x!tpu.dma_semaphore, #tpu.memory_space<semaphore_mem>> -> memref<!tpu.dma_semaphore, #tpu.memory_space<semaphore_mem>>
    %dma_start3A_97 = arith.constant 0 : i32
    %dma_start3A_98 = arith.constant 0 : i32
    %dma_start3A_99 = tpu.memref_slice %arg9[%dma_start3A_87, %dma_start3A_97, %dma_start3A_98] : memref<2x128x26xi32, #tpu.memory_space<vmem>> -> memref<1x128x26xi32, #tpu.memory_space<vmem>>
    %dma_start3A_100 = tpu.memref_squeeze %dma_start3A_99 : memref<1x128x26xi32, #tpu.memory_space<vmem>> -> memref<128x26xi32, #tpu.memory_space<vmem>>
    %dma_start3A_101 = arith.constant 0 : i32
    %dma_start3A_102 = tpu.memref_slice %arg2[%add3A_86, %dma_start3A_101] : memref<16384x26xi32, #tpu.memory_space<hbm>> -> memref<128x26xi32, #tpu.memory_space<hbm>>
    tpu.enqueue_dma source(%dma_start3A_102 : memref<128x26xi32, #tpu.memory_space<hbm>>) target(%dma_start3A_100 : memref<128x26xi32, #tpu.memory_space<vmem>>) target_semaphore(%dma_start3A_96 : memref<!tpu.dma_semaphore, #tpu.memory_space<semaphore_mem>>)
    %dma_wait3A_103 = arith.constant 1 : i32
    %dma_wait3A_104 = arith.constant 1 : i32
    %dma_wait3A_105 = arith.constant 0 : i32
    %dma_wait3A_106 = arith.constant 0 : i32
    %dma_wait3A_107 = tpu.memref_slice %arg9[%dma_wait3A_103, %dma_wait3A_105, %dma_wait3A_106] : memref<2x128x26xi32, #tpu.memory_space<vmem>> -> memref<1x128x26xi32, #tpu.memory_space<vmem>>
    %dma_wait3A_108 = tpu.memref_squeeze %dma_wait3A_107 : memref<1x128x26xi32, #tpu.memory_space<vmem>> -> memref<128x26xi32, #tpu.memory_space<vmem>>
    %dma_wait3A_109 = arith.constant 0 : i32
    %dma_wait3A_110 = tpu.memref_slice %arg2[%add3A_21, %dma_wait3A_109] : memref<16384x26xi32, #tpu.memory_space<hbm>> -> memref<128x26xi32, #tpu.memory_space<hbm>>
    %dma_wait3A_111 = tpu.memref_slice %arg11[%dma_wait3A_104] : memref<2x!tpu.dma_semaphore, #tpu.memory_space<semaphore_mem>> -> memref<1x!tpu.dma_semaphore, #tpu.memory_space<semaphore_mem>>
    %dma_wait3A_112 = tpu.memref_squeeze %dma_wait3A_111 : memref<1x!tpu.dma_semaphore, #tpu.memory_space<semaphore_mem>> -> memref<!tpu.dma_semaphore, #tpu.memory_space<semaphore_mem>>
    %dma_wait3A_113 = arith.constant 0 : i32
    %dma_wait3A_114 = arith.constant 0 : i32
    %dma_wait3A_115 = tpu.memref_slice %arg9[%dma_wait3A_103, %dma_wait3A_113, %dma_wait3A_114] : memref<2x128x26xi32, #tpu.memory_space<vmem>> -> memref<1x128x26xi32, #tpu.memory_space<vmem>>
    %dma_wait3A_116 = tpu.memref_squeeze %dma_wait3A_115 : memref<1x128x26xi32, #tpu.memory_space<vmem>> -> memref<128x26xi32, #tpu.memory_space<vmem>>
    %dma_wait3A_117 = arith.constant 0 : i32
    %dma_wait3A_118 = tpu.memref_slice %arg2[%add3A_21, %dma_wait3A_117] : memref<16384x26xi32, #tpu.memory_space<hbm>> -> memref<128x26xi32, #tpu.memory_space<hbm>>
    tpu.wait_dma2 semaphore(%dma_wait3A_112 : memref<!tpu.dma_semaphore, #tpu.memory_space<semaphore_mem>>) src(%dma_wait3A_118 : memref<128x26xi32, #tpu.memory_space<hbm>>) dst(%dma_wait3A_116 : memref<128x26xi32, #tpu.memory_space<vmem>>)
    %parallel_loop3A_119 = arith.constant 0 : i32
    %parallel_loop3A_120 = arith.constant 208 : i32
    %parallel_loop3A_121 = arith.constant 1 : i32
    %parallel_loop3A_122 = arith.constant 1 : i32
    %parallel_loop3A_123 = arith.constant 1 : i32
    scf.for %parallel_loop3A_302 = %parallel_loop3A_119 to %parallel_loop3A_120 step %parallel_loop3A_121  : i32 {
      %parallel_loop3A_303 = arith.constant 16 : i32
      %parallel_loop3A_304 = arith.muli %parallel_loop3A_302, %parallel_loop3A_303 : i32
      %parallel_loop3A_305 = vector.broadcast %parallel_loop3A_304 : i32 to vector<16xi32>
      %parallel_loop3A_306 = arith.addi %parallel_loop3A_305, %iota3A : vector<16xi32>
      %parallel_loop3A_307 = arith.constant 26 : i32
      %parallel_loop3A_308 = vector.broadcast %parallel_loop3A_307 : i32 to vector<16xi32>
      %parallel_loop3A_309 = arith.divsi %parallel_loop3A_306, %parallel_loop3A_308 : vector<16xi32>
      %parallel_loop3A_310 = arith.constant 0 : i32
      %parallel_loop3A_311 = vector.broadcast %parallel_loop3A_310 : i32 to vector<16xi32>
      %parallel_loop3A_312 = arith.cmpi sgt, %parallel_loop3A_306, %parallel_loop3A_311 : vector<16xi32>
      %parallel_loop3A_313 = arith.extui %parallel_loop3A_312 : vector<16xi1> to vector<16xi32>
      %parallel_loop3A_314 = arith.constant 0 : i32
      %parallel_loop3A_315 = vector.broadcast %parallel_loop3A_314 : i32 to vector<16xi32>
      %parallel_loop3A_316 = arith.cmpi slt, %parallel_loop3A_306, %parallel_loop3A_315 : vector<16xi32>
      %parallel_loop3A_317 = arith.extui %parallel_loop3A_316 : vector<16xi1> to vector<16xi32>
      %parallel_loop3A_318 = arith.subi %parallel_loop3A_313, %parallel_loop3A_317 : vector<16xi32>
      %parallel_loop3A_319 = arith.constant 0 : i32
      %parallel_loop3A_320 = arith.cmpi sgt, %parallel_loop3A_307, %parallel_loop3A_319 : i32
      %parallel_loop3A_321 = arith.extui %parallel_loop3A_320 : i1 to i32
      %parallel_loop3A_322 = arith.constant 0 : i32
      %parallel_loop3A_323 = arith.cmpi slt, %parallel_loop3A_307, %parallel_loop3A_322 : i32
      %parallel_loop3A_324 = arith.extui %parallel_loop3A_323 : i1 to i32
      %parallel_loop3A_325 = arith.subi %parallel_loop3A_321, %parallel_loop3A_324 : i32
      %parallel_loop3A_326 = vector.broadcast %parallel_loop3A_325 : i32 to vector<16xi32>
      %parallel_loop3A_327 = arith.cmpi ne, %parallel_loop3A_318, %parallel_loop3A_326 : vector<16xi32>
      %parallel_loop3A_328 = vector.broadcast %parallel_loop3A_307 : i32 to vector<16xi32>
      %parallel_loop3A_329 = arith.remsi %parallel_loop3A_306, %parallel_loop3A_328 : vector<16xi32>
      %parallel_loop3A_330 = arith.constant 0 : i32
      %parallel_loop3A_331 = vector.broadcast %parallel_loop3A_330 : i32 to vector<16xi32>
      %parallel_loop3A_332 = arith.cmpi ne, %parallel_loop3A_329, %parallel_loop3A_331 : vector<16xi32>
      %parallel_loop3A_333 = arith.andi %parallel_loop3A_327, %parallel_loop3A_332 : vector<16xi1>
      %parallel_loop3A_334 = arith.constant 1 : i32
      %parallel_loop3A_335 = vector.broadcast %parallel_loop3A_334 : i32 to vector<16xi32>
      %parallel_loop3A_336 = arith.subi %parallel_loop3A_309, %parallel_loop3A_335 : vector<16xi32>
      %parallel_loop3A_337 = arith.select %parallel_loop3A_333, %parallel_loop3A_336, %parallel_loop3A_309 : vector<16xi1>, vector<16xi32>
      %parallel_loop3A_338 = arith.constant 26 : i32
      %parallel_loop3A_339 = vector.broadcast %parallel_loop3A_338 : i32 to vector<16xi32>
      %parallel_loop3A_340 = arith.muli %parallel_loop3A_337, %parallel_loop3A_339 : vector<16xi32>
      %parallel_loop3A_341 = arith.subi %parallel_loop3A_306, %parallel_loop3A_340 : vector<16xi32>
      %parallel_loop3A_342 = arith.constant 0 : i32
      %parallel_loop3A_343 = arith.constant 0 : i32
      %parallel_loop3A_344 = tpu.memref_slice %arg9[%parallel_loop3A_122, %parallel_loop3A_342, %parallel_loop3A_343] : memref<2x128x26xi32, #tpu.memory_space<vmem>> -> memref<1x128x26xi32, #tpu.memory_space<vmem>>
      %parallel_loop3A_345 = tpu.memref_squeeze %parallel_loop3A_344 : memref<1x128x26xi32, #tpu.memory_space<vmem>> -> memref<128x26xi32, #tpu.memory_space<vmem>>
      %parallel_loop3A_346 = tpu.vector_load_idx %parallel_loop3A_345[%parallel_loop3A_337, %parallel_loop3A_341] : memref<128x26xi32, #tpu.memory_space<vmem>>[vector<16xi32>, vector<16xi32>], vector<16xi32>,
      %parallel_loop3A_347 = tpu.vector_load_idx %arg6[%parallel_loop3A_346] : memref<1216xi32, #tpu.memory_space<vmem>>[vector<16xi32>], vector<16xi32>,
      %parallel_loop3A_348 = arith.constant 0 : i32
      %parallel_loop3A_349 = arith.constant 0 : i32
      %parallel_loop3A_350 = tpu.memref_slice %arg10[%parallel_loop3A_123, %parallel_loop3A_348, %parallel_loop3A_349] : memref<2x128x26xi32, #tpu.memory_space<vmem>> -> memref<1x128x26xi32, #tpu.memory_space<vmem>>
      %parallel_loop3A_351 = tpu.memref_squeeze %parallel_loop3A_350 : memref<1x128x26xi32, #tpu.memory_space<vmem>> -> memref<128x26xi32, #tpu.memory_space<vmem>>
      tpu.vector_store_idx %parallel_loop3A_351[%parallel_loop3A_337, %parallel_loop3A_341], %parallel_loop3A_347 : memref<128x26xi32, #tpu.memory_space<vmem>>[vector<16xi32>, vector<16xi32>], vector<16xi32>,
    } {sc.loop_unroll_factor = 16 : i64, sc.parallel_access}
    %add3A_124 = arith.constant 128 : i32
    %add3A_125 = arith.addi %mul3A_2, %add3A_124 : i32
    %dma_start3A_126 = arith.constant 1 : i32
    %dma_start3A_127 = arith.constant 1 : i32
    %dma_start3A_128 = arith.constant 0 : i32
    %dma_start3A_129 = arith.constant 0 : i32
    %dma_start3A_130 = tpu.memref_slice %arg10[%dma_start3A_126, %dma_start3A_128, %dma_start3A_129] : memref<2x128x26xi32, #tpu.memory_space<vmem>> -> memref<1x128x26xi32, #tpu.memory_space<vmem>>
    %dma_start3A_131 = tpu.memref_squeeze %dma_start3A_130 : memref<1x128x26xi32, #tpu.memory_space<vmem>> -> memref<128x26xi32, #tpu.memory_space<vmem>>
    %dma_start3A_132 = arith.constant 0 : i32
    %dma_start3A_133 = tpu.memref_slice %arg5[%add3A_125, %dma_start3A_132] : memref<16384x26xi32, #tpu.memory_space<hbm>> -> memref<128x26xi32, #tpu.memory_space<hbm>>
    %dma_start3A_134 = tpu.memref_slice %arg12[%dma_start3A_127] : memref<2x!tpu.dma_semaphore, #tpu.memory_space<semaphore_mem>> -> memref<1x!tpu.dma_semaphore, #tpu.memory_space<semaphore_mem>>
    %dma_start3A_135 = tpu.memref_squeeze %dma_start3A_134 : memref<1x!tpu.dma_semaphore, #tpu.memory_space<semaphore_mem>> -> memref<!tpu.dma_semaphore, #tpu.memory_space<semaphore_mem>>
    %dma_start3A_136 = arith.constant 0 : i32
    %dma_start3A_137 = tpu.memref_slice %arg5[%add3A_125, %dma_start3A_136] : memref<16384x26xi32, #tpu.memory_space<hbm>> -> memref<128x26xi32, #tpu.memory_space<hbm>>
    %dma_start3A_138 = arith.constant 0 : i32
    %dma_start3A_139 = arith.constant 0 : i32
    %dma_start3A_140 = tpu.memref_slice %arg10[%dma_start3A_126, %dma_start3A_138, %dma_start3A_139] : memref<2x128x26xi32, #tpu.memory_space<vmem>> -> memref<1x128x26xi32, #tpu.memory_space<vmem>>
    %dma_start3A_141 = tpu.memref_squeeze %dma_start3A_140 : memref<1x128x26xi32, #tpu.memory_space<vmem>> -> memref<128x26xi32, #tpu.memory_space<vmem>>
    tpu.enqueue_dma source(%dma_start3A_141 : memref<128x26xi32, #tpu.memory_space<vmem>>) target(%dma_start3A_137 : memref<128x26xi32, #tpu.memory_space<hbm>>) target_semaphore(%dma_start3A_135 : memref<!tpu.dma_semaphore, #tpu.memory_space<semaphore_mem>>)
    %add3A_142 = arith.constant 384 : i32
    %add3A_143 = arith.addi %mul3A_2, %add3A_142 : i32
    %dma_start3A_144 = arith.constant 1 : i32
    %dma_start3A_145 = arith.constant 1 : i32
    %dma_start3A_146 = arith.constant 0 : i32
    %dma_start3A_147 = arith.constant 0 : i32
    %dma_start3A_148 = tpu.memref_slice %arg9[%dma_start3A_144, %dma_start3A_146, %dma_start3A_147] : memref<2x128x26xi32, #tpu.memory_space<vmem>> -> memref<1x128x26xi32, #tpu.memory_space<vmem>>
    %dma_start3A_149 = tpu.memref_squeeze %dma_start3A_148 : memref<1x128x26xi32, #tpu.memory_space<vmem>> -> memref<128x26xi32, #tpu.memory_space<vmem>>
    %dma_start3A_150 = arith.constant 0 : i32
    %dma_start3A_151 = tpu.memref_slice %arg2[%add3A_143, %dma_start3A_150] : memref<16384x26xi32, #tpu.memory_space<hbm>> -> memref<128x26xi32, #tpu.memory_space<hbm>>
    %dma_start3A_152 = tpu.memref_slice %arg11[%dma_start3A_145] : memref<2x!tpu.dma_semaphore, #tpu.memory_space<semaphore_mem>> -> memref<1x!tpu.dma_semaphore, #tpu.memory_space<semaphore_mem>>
    %dma_start3A_153 = tpu.memref_squeeze %dma_start3A_152 : memref<1x!tpu.dma_semaphore, #tpu.memory_space<semaphore_mem>> -> memref<!tpu.dma_semaphore, #tpu.memory_space<semaphore_mem>>
    %dma_start3A_154 = arith.constant 0 : i32
    %dma_start3A_155 = arith.constant 0 : i32
    %dma_start3A_156 = tpu.memref_slice %arg9[%dma_start3A_144, %dma_start3A_154, %dma_start3A_155] : memref<2x128x26xi32, #tpu.memory_space<vmem>> -> memref<1x128x26xi32, #tpu.memory_space<vmem>>
    %dma_start3A_157 = tpu.memref_squeeze %dma_start3A_156 : memref<1x128x26xi32, #tpu.memory_space<vmem>> -> memref<128x26xi32, #tpu.memory_space<vmem>>
    %dma_start3A_158 = arith.constant 0 : i32
    %dma_start3A_159 = tpu.memref_slice %arg2[%add3A_143, %dma_start3A_158] : memref<16384x26xi32, #tpu.memory_space<hbm>> -> memref<128x26xi32, #tpu.memory_space<hbm>>
    tpu.enqueue_dma source(%dma_start3A_159 : memref<128x26xi32, #tpu.memory_space<hbm>>) target(%dma_start3A_157 : memref<128x26xi32, #tpu.memory_space<vmem>>) target_semaphore(%dma_start3A_153 : memref<!tpu.dma_semaphore, #tpu.memory_space<semaphore_mem>>)
    %dma_wait3A_160 = arith.constant 0 : i32
    %dma_wait3A_161 = arith.constant 0 : i32
    %dma_wait3A_162 = arith.constant 0 : i32
    %dma_wait3A_163 = arith.constant 0 : i32
    %dma_wait3A_164 = tpu.memref_slice %arg9[%dma_wait3A_160, %dma_wait3A_162, %dma_wait3A_163] : memref<2x128x26xi32, #tpu.memory_space<vmem>> -> memref<1x128x26xi32, #tpu.memory_space<vmem>>
    %dma_wait3A_165 = tpu.memref_squeeze %dma_wait3A_164 : memref<1x128x26xi32, #tpu.memory_space<vmem>> -> memref<128x26xi32, #tpu.memory_space<vmem>>
    %dma_wait3A_166 = arith.constant 0 : i32
    %dma_wait3A_167 = tpu.memref_slice %arg2[%add3A_86, %dma_wait3A_166] : memref<16384x26xi32, #tpu.memory_space<hbm>> -> memref<128x26xi32, #tpu.memory_space<hbm>>
    %dma_wait3A_168 = tpu.memref_slice %arg11[%dma_wait3A_161] : memref<2x!tpu.dma_semaphore, #tpu.memory_space<semaphore_mem>> -> memref<1x!tpu.dma_semaphore, #tpu.memory_space<semaphore_mem>>
    %dma_wait3A_169 = tpu.memref_squeeze %dma_wait3A_168 : memref<1x!tpu.dma_semaphore, #tpu.memory_space<semaphore_mem>> -> memref<!tpu.dma_semaphore, #tpu.memory_space<semaphore_mem>>
    %dma_wait3A_170 = arith.constant 0 : i32
    %dma_wait3A_171 = arith.constant 0 : i32
    %dma_wait3A_172 = tpu.memref_slice %arg9[%dma_wait3A_160, %dma_wait3A_170, %dma_wait3A_171] : memref<2x128x26xi32, #tpu.memory_space<vmem>> -> memref<1x128x26xi32, #tpu.memory_space<vmem>>
    %dma_wait3A_173 = tpu.memref_squeeze %dma_wait3A_172 : memref<1x128x26xi32, #tpu.memory_space<vmem>> -> memref<128x26xi32, #tpu.memory_space<vmem>>
    %dma_wait3A_174 = arith.constant 0 : i32
    %dma_wait3A_175 = tpu.memref_slice %arg2[%add3A_86, %dma_wait3A_174] : memref<16384x26xi32, #tpu.memory_space<hbm>> -> memref<128x26xi32, #tpu.memory_space<hbm>>
    tpu.wait_dma2 semaphore(%dma_wait3A_169 : memref<!tpu.dma_semaphore, #tpu.memory_space<semaphore_mem>>) src(%dma_wait3A_175 : memref<128x26xi32, #tpu.memory_space<hbm>>) dst(%dma_wait3A_173 : memref<128x26xi32, #tpu.memory_space<vmem>>)
    %dma_wait3A_176 = arith.constant 0 : i32
    %dma_wait3A_177 = arith.constant 0 : i32
    %dma_wait3A_178 = arith.constant 0 : i32
    %dma_wait3A_179 = arith.constant 0 : i32
    %dma_wait3A_180 = tpu.memref_slice %arg10[%dma_wait3A_176, %dma_wait3A_178, %dma_wait3A_179] : memref<2x128x26xi32, #tpu.memory_space<vmem>> -> memref<1x128x26xi32, #tpu.memory_space<vmem>>
    %dma_wait3A_181 = tpu.memref_squeeze %dma_wait3A_180 : memref<1x128x26xi32, #tpu.memory_space<vmem>> -> memref<128x26xi32, #tpu.memory_space<vmem>>
    %dma_wait3A_182 = arith.constant 0 : i32
    %dma_wait3A_183 = tpu.memref_slice %arg5[%add3A_68, %dma_wait3A_182] : memref<16384x26xi32, #tpu.memory_space<hbm>> -> memref<128x26xi32, #tpu.memory_space<hbm>>
    %dma_wait3A_184 = tpu.memref_slice %arg12[%dma_wait3A_177] : memref<2x!tpu.dma_semaphore, #tpu.memory_space<semaphore_mem>> -> memref<1x!tpu.dma_semaphore, #tpu.memory_space<semaphore_mem>>
    %dma_wait3A_185 = tpu.memref_squeeze %dma_wait3A_184 : memref<1x!tpu.dma_semaphore, #tpu.memory_space<semaphore_mem>> -> memref<!tpu.dma_semaphore, #tpu.memory_space<semaphore_mem>>
    %dma_wait3A_186 = arith.constant 0 : i32
    %dma_wait3A_187 = tpu.memref_slice %arg5[%add3A_68, %dma_wait3A_186] : memref<16384x26xi32, #tpu.memory_space<hbm>> -> memref<128x26xi32, #tpu.memory_space<hbm>>
    %dma_wait3A_188 = arith.constant 0 : i32
    %dma_wait3A_189 = arith.constant 0 : i32
    %dma_wait3A_190 = tpu.memref_slice %arg10[%dma_wait3A_176, %dma_wait3A_188, %dma_wait3A_189] : memref<2x128x26xi32, #tpu.memory_space<vmem>> -> memref<1x128x26xi32, #tpu.memory_space<vmem>>
    %dma_wait3A_191 = tpu.memref_squeeze %dma_wait3A_190 : memref<1x128x26xi32, #tpu.memory_space<vmem>> -> memref<128x26xi32, #tpu.memory_space<vmem>>
    tpu.wait_dma2 semaphore(%dma_wait3A_185 : memref<!tpu.dma_semaphore, #tpu.memory_space<semaphore_mem>>) src(%dma_wait3A_191 : memref<128x26xi32, #tpu.memory_space<vmem>>) dst(%dma_wait3A_187 : memref<128x26xi32, #tpu.memory_space<hbm>>)
    %parallel_loop3A_192 = arith.constant 0 : i32
    %parallel_loop3A_193 = arith.constant 208 : i32
    %parallel_loop3A_194 = arith.constant 1 : i32
    %parallel_loop3A_195 = arith.constant 0 : i32
    %parallel_loop3A_196 = arith.constant 0 : i32
    scf.for %parallel_loop3A_302 = %parallel_loop3A_192 to %parallel_loop3A_193 step %parallel_loop3A_194  : i32 {
      %parallel_loop3A_303 = arith.constant 16 : i32
      %parallel_loop3A_304 = arith.muli %parallel_loop3A_302, %parallel_loop3A_303 : i32
      %parallel_loop3A_305 = vector.broadcast %parallel_loop3A_304 : i32 to vector<16xi32>
      %parallel_loop3A_306 = arith.addi %parallel_loop3A_305, %iota3A : vector<16xi32>
      %parallel_loop3A_307 = arith.constant 26 : i32
      %parallel_loop3A_308 = vector.broadcast %parallel_loop3A_307 : i32 to vector<16xi32>
      %parallel_loop3A_309 = arith.divsi %parallel_loop3A_306, %parallel_loop3A_308 : vector<16xi32>
      %parallel_loop3A_310 = arith.constant 0 : i32
      %parallel_loop3A_311 = vector.broadcast %parallel_loop3A_310 : i32 to vector<16xi32>
      %parallel_loop3A_312 = arith.cmpi sgt, %parallel_loop3A_306, %parallel_loop3A_311 : vector<16xi32>
      %parallel_loop3A_313 = arith.extui %parallel_loop3A_312 : vector<16xi1> to vector<16xi32>
      %parallel_loop3A_314 = arith.constant 0 : i32
      %parallel_loop3A_315 = vector.broadcast %parallel_loop3A_314 : i32 to vector<16xi32>
      %parallel_loop3A_316 = arith.cmpi slt, %parallel_loop3A_306, %parallel_loop3A_315 : vector<16xi32>
      %parallel_loop3A_317 = arith.extui %parallel_loop3A_316 : vector<16xi1> to vector<16xi32>
      %parallel_loop3A_318 = arith.subi %parallel_loop3A_313, %parallel_loop3A_317 : vector<16xi32>
      %parallel_loop3A_319 = arith.constant 0 : i32
      %parallel_loop3A_320 = arith.cmpi sgt, %parallel_loop3A_307, %parallel_loop3A_319 : i32
      %parallel_loop3A_321 = arith.extui %parallel_loop3A_320 : i1 to i32
      %parallel_loop3A_322 = arith.constant 0 : i32
      %parallel_loop3A_323 = arith.cmpi slt, %parallel_loop3A_307, %parallel_loop3A_322 : i32
      %parallel_loop3A_324 = arith.extui %parallel_loop3A_323 : i1 to i32
      %parallel_loop3A_325 = arith.subi %parallel_loop3A_321, %parallel_loop3A_324 : i32
      %parallel_loop3A_326 = vector.broadcast %parallel_loop3A_325 : i32 to vector<16xi32>
      %parallel_loop3A_327 = arith.cmpi ne, %parallel_loop3A_318, %parallel_loop3A_326 : vector<16xi32>
      %parallel_loop3A_328 = vector.broadcast %parallel_loop3A_307 : i32 to vector<16xi32>
      %parallel_loop3A_329 = arith.remsi %parallel_loop3A_306, %parallel_loop3A_328 : vector<16xi32>
      %parallel_loop3A_330 = arith.constant 0 : i32
      %parallel_loop3A_331 = vector.broadcast %parallel_loop3A_330 : i32 to vector<16xi32>
      %parallel_loop3A_332 = arith.cmpi ne, %parallel_loop3A_329, %parallel_loop3A_331 : vector<16xi32>
      %parallel_loop3A_333 = arith.andi %parallel_loop3A_327, %parallel_loop3A_332 : vector<16xi1>
      %parallel_loop3A_334 = arith.constant 1 : i32
      %parallel_loop3A_335 = vector.broadcast %parallel_loop3A_334 : i32 to vector<16xi32>
      %parallel_loop3A_336 = arith.subi %parallel_loop3A_309, %parallel_loop3A_335 : vector<16xi32>
      %parallel_loop3A_337 = arith.select %parallel_loop3A_333, %parallel_loop3A_336, %parallel_loop3A_309 : vector<16xi1>, vector<16xi32>
      %parallel_loop3A_338 = arith.constant 26 : i32
      %parallel_loop3A_339 = vector.broadcast %parallel_loop3A_338 : i32 to vector<16xi32>
      %parallel_loop3A_340 = arith.muli %parallel_loop3A_337, %parallel_loop3A_339 : vector<16xi32>
      %parallel_loop3A_341 = arith.subi %parallel_loop3A_306, %parallel_loop3A_340 : vector<16xi32>
      %parallel_loop3A_342 = arith.constant 0 : i32
      %parallel_loop3A_343 = arith.constant 0 : i32
      %parallel_loop3A_344 = tpu.memref_slice %arg9[%parallel_loop3A_195, %parallel_loop3A_342, %parallel_loop3A_343] : memref<2x128x26xi32, #tpu.memory_space<vmem>> -> memref<1x128x26xi32, #tpu.memory_space<vmem>>
      %parallel_loop3A_345 = tpu.memref_squeeze %parallel_loop3A_344 : memref<1x128x26xi32, #tpu.memory_space<vmem>> -> memref<128x26xi32, #tpu.memory_space<vmem>>
      %parallel_loop3A_346 = tpu.vector_load_idx %parallel_loop3A_345[%parallel_loop3A_337, %parallel_loop3A_341] : memref<128x26xi32, #tpu.memory_space<vmem>>[vector<16xi32>, vector<16xi32>], vector<16xi32>,
      %parallel_loop3A_347 = tpu.vector_load_idx %arg6[%parallel_loop3A_346] : memref<1216xi32, #tpu.memory_space<vmem>>[vector<16xi32>], vector<16xi32>,
      %parallel_loop3A_348 = arith.constant 0 : i32
      %parallel_loop3A_349 = arith.constant 0 : i32
      %parallel_loop3A_350 = tpu.memref_slice %arg10[%parallel_loop3A_196, %parallel_loop3A_348, %parallel_loop3A_349] : memref<2x128x26xi32, #tpu.memory_space<vmem>> -> memref<1x128x26xi32, #tpu.memory_space<vmem>>
      %parallel_loop3A_351 = tpu.memref_squeeze %parallel_loop3A_350 : memref<1x128x26xi32, #tpu.memory_space<vmem>> -> memref<128x26xi32, #tpu.memory_space<vmem>>
      tpu.vector_store_idx %parallel_loop3A_351[%parallel_loop3A_337, %parallel_loop3A_341], %parallel_loop3A_347 : memref<128x26xi32, #tpu.memory_space<vmem>>[vector<16xi32>, vector<16xi32>], vector<16xi32>,
    } {sc.loop_unroll_factor = 16 : i64, sc.parallel_access}
    %add3A_197 = arith.constant 256 : i32
    %add3A_198 = arith.addi %mul3A_2, %add3A_197 : i32
    %dma_start3A_199 = arith.constant 0 : i32
    %dma_start3A_200 = arith.constant 0 : i32
    %dma_start3A_201 = arith.constant 0 : i32
    %dma_start3A_202 = arith.constant 0 : i32
    %dma_start3A_203 = tpu.memref_slice %arg10[%dma_start3A_199, %dma_start3A_201, %dma_start3A_202] : memref<2x128x26xi32, #tpu.memory_space<vmem>> -> memref<1x128x26xi32, #tpu.memory_space<vmem>>
    %dma_start3A_204 = tpu.memref_squeeze %dma_start3A_203 : memref<1x128x26xi32, #tpu.memory_space<vmem>> -> memref<128x26xi32, #tpu.memory_space<vmem>>
    %dma_start3A_205 = arith.constant 0 : i32
    %dma_start3A_206 = tpu.memref_slice %arg5[%add3A_198, %dma_start3A_205] : memref<16384x26xi32, #tpu.memory_space<hbm>> -> memref<128x26xi32, #tpu.memory_space<hbm>>
    %dma_start3A_207 = tpu.memref_slice %arg12[%dma_start3A_200] : memref<2x!tpu.dma_semaphore, #tpu.memory_space<semaphore_mem>> -> memref<1x!tpu.dma_semaphore, #tpu.memory_space<semaphore_mem>>
    %dma_start3A_208 = tpu.memref_squeeze %dma_start3A_207 : memref<1x!tpu.dma_semaphore, #tpu.memory_space<semaphore_mem>> -> memref<!tpu.dma_semaphore, #tpu.memory_space<semaphore_mem>>
    %dma_start3A_209 = arith.constant 0 : i32
    %dma_start3A_210 = tpu.memref_slice %arg5[%add3A_198, %dma_start3A_209] : memref<16384x26xi32, #tpu.memory_space<hbm>> -> memref<128x26xi32, #tpu.memory_space<hbm>>
    %dma_start3A_211 = arith.constant 0 : i32
    %dma_start3A_212 = arith.constant 0 : i32
    %dma_start3A_213 = tpu.memref_slice %arg10[%dma_start3A_199, %dma_start3A_211, %dma_start3A_212] : memref<2x128x26xi32, #tpu.memory_space<vmem>> -> memref<1x128x26xi32, #tpu.memory_space<vmem>>
    %dma_start3A_214 = tpu.memref_squeeze %dma_start3A_213 : memref<1x128x26xi32, #tpu.memory_space<vmem>> -> memref<128x26xi32, #tpu.memory_space<vmem>>
    tpu.enqueue_dma source(%dma_start3A_214 : memref<128x26xi32, #tpu.memory_space<vmem>>) target(%dma_start3A_210 : memref<128x26xi32, #tpu.memory_space<hbm>>) target_semaphore(%dma_start3A_208 : memref<!tpu.dma_semaphore, #tpu.memory_space<semaphore_mem>>)
    %dma_wait3A_215 = arith.constant 1 : i32
    %dma_wait3A_216 = arith.constant 1 : i32
    %dma_wait3A_217 = arith.constant 0 : i32
    %dma_wait3A_218 = arith.constant 0 : i32
    %dma_wait3A_219 = tpu.memref_slice %arg9[%dma_wait3A_215, %dma_wait3A_217, %dma_wait3A_218] : memref<2x128x26xi32, #tpu.memory_space<vmem>> -> memref<1x128x26xi32, #tpu.memory_space<vmem>>
    %dma_wait3A_220 = tpu.memref_squeeze %dma_wait3A_219 : memref<1x128x26xi32, #tpu.memory_space<vmem>> -> memref<128x26xi32, #tpu.memory_space<vmem>>
    %dma_wait3A_221 = arith.constant 0 : i32
    %dma_wait3A_222 = tpu.memref_slice %arg2[%add3A_143, %dma_wait3A_221] : memref<16384x26xi32, #tpu.memory_space<hbm>> -> memref<128x26xi32, #tpu.memory_space<hbm>>
    %dma_wait3A_223 = tpu.memref_slice %arg11[%dma_wait3A_216] : memref<2x!tpu.dma_semaphore, #tpu.memory_space<semaphore_mem>> -> memref<1x!tpu.dma_semaphore, #tpu.memory_space<semaphore_mem>>
    %dma_wait3A_224 = tpu.memref_squeeze %dma_wait3A_223 : memref<1x!tpu.dma_semaphore, #tpu.memory_space<semaphore_mem>> -> memref<!tpu.dma_semaphore, #tpu.memory_space<semaphore_mem>>
    %dma_wait3A_225 = arith.constant 0 : i32
    %dma_wait3A_226 = arith.constant 0 : i32
    %dma_wait3A_227 = tpu.memref_slice %arg9[%dma_wait3A_215, %dma_wait3A_225, %dma_wait3A_226] : memref<2x128x26xi32, #tpu.memory_space<vmem>> -> memref<1x128x26xi32, #tpu.memory_space<vmem>>
    %dma_wait3A_228 = tpu.memref_squeeze %dma_wait3A_227 : memref<1x128x26xi32, #tpu.memory_space<vmem>> -> memref<128x26xi32, #tpu.memory_space<vmem>>
    %dma_wait3A_229 = arith.constant 0 : i32
    %dma_wait3A_230 = tpu.memref_slice %arg2[%add3A_143, %dma_wait3A_229] : memref<16384x26xi32, #tpu.memory_space<hbm>> -> memref<128x26xi32, #tpu.memory_space<hbm>>
    tpu.wait_dma2 semaphore(%dma_wait3A_224 : memref<!tpu.dma_semaphore, #tpu.memory_space<semaphore_mem>>) src(%dma_wait3A_230 : memref<128x26xi32, #tpu.memory_space<hbm>>) dst(%dma_wait3A_228 : memref<128x26xi32, #tpu.memory_space<vmem>>)
    %dma_wait3A_231 = arith.constant 1 : i32
    %dma_wait3A_232 = arith.constant 1 : i32
    %dma_wait3A_233 = arith.constant 0 : i32
    %dma_wait3A_234 = arith.constant 0 : i32
    %dma_wait3A_235 = tpu.memref_slice %arg10[%dma_wait3A_231, %dma_wait3A_233, %dma_wait3A_234] : memref<2x128x26xi32, #tpu.memory_space<vmem>> -> memref<1x128x26xi32, #tpu.memory_space<vmem>>
    %dma_wait3A_236 = tpu.memref_squeeze %dma_wait3A_235 : memref<1x128x26xi32, #tpu.memory_space<vmem>> -> memref<128x26xi32, #tpu.memory_space<vmem>>
    %dma_wait3A_237 = arith.constant 0 : i32
    %dma_wait3A_238 = tpu.memref_slice %arg5[%add3A_125, %dma_wait3A_237] : memref<16384x26xi32, #tpu.memory_space<hbm>> -> memref<128x26xi32, #tpu.memory_space<hbm>>
    %dma_wait3A_239 = tpu.memref_slice %arg12[%dma_wait3A_232] : memref<2x!tpu.dma_semaphore, #tpu.memory_space<semaphore_mem>> -> memref<1x!tpu.dma_semaphore, #tpu.memory_space<semaphore_mem>>
    %dma_wait3A_240 = tpu.memref_squeeze %dma_wait3A_239 : memref<1x!tpu.dma_semaphore, #tpu.memory_space<semaphore_mem>> -> memref<!tpu.dma_semaphore, #tpu.memory_space<semaphore_mem>>
    %dma_wait3A_241 = arith.constant 0 : i32
    %dma_wait3A_242 = tpu.memref_slice %arg5[%add3A_125, %dma_wait3A_241] : memref<16384x26xi32, #tpu.memory_space<hbm>> -> memref<128x26xi32, #tpu.memory_space<hbm>>
    %dma_wait3A_243 = arith.constant 0 : i32
    %dma_wait3A_244 = arith.constant 0 : i32
    %dma_wait3A_245 = tpu.memref_slice %arg10[%dma_wait3A_231, %dma_wait3A_243, %dma_wait3A_244] : memref<2x128x26xi32, #tpu.memory_space<vmem>> -> memref<1x128x26xi32, #tpu.memory_space<vmem>>
    %dma_wait3A_246 = tpu.memref_squeeze %dma_wait3A_245 : memref<1x128x26xi32, #tpu.memory_space<vmem>> -> memref<128x26xi32, #tpu.memory_space<vmem>>
    tpu.wait_dma2 semaphore(%dma_wait3A_240 : memref<!tpu.dma_semaphore, #tpu.memory_space<semaphore_mem>>) src(%dma_wait3A_246 : memref<128x26xi32, #tpu.memory_space<vmem>>) dst(%dma_wait3A_242 : memref<128x26xi32, #tpu.memory_space<hbm>>)
    %parallel_loop3A_247 = arith.constant 0 : i32
    %parallel_loop3A_248 = arith.constant 208 : i32
    %parallel_loop3A_249 = arith.constant 1 : i32
    %parallel_loop3A_250 = arith.constant 1 : i32
    %parallel_loop3A_251 = arith.constant 1 : i32
    scf.for %parallel_loop3A_302 = %parallel_loop3A_247 to %parallel_loop3A_248 step %parallel_loop3A_249  : i32 {
      %parallel_loop3A_303 = arith.constant 16 : i32
      %parallel_loop3A_304 = arith.muli %parallel_loop3A_302, %parallel_loop3A_303 : i32
      %parallel_loop3A_305 = vector.broadcast %parallel_loop3A_304 : i32 to vector<16xi32>
      %parallel_loop3A_306 = arith.addi %parallel_loop3A_305, %iota3A : vector<16xi32>
      %parallel_loop3A_307 = arith.constant 26 : i32
      %parallel_loop3A_308 = vector.broadcast %parallel_loop3A_307 : i32 to vector<16xi32>
      %parallel_loop3A_309 = arith.divsi %parallel_loop3A_306, %parallel_loop3A_308 : vector<16xi32>
      %parallel_loop3A_310 = arith.constant 0 : i32
      %parallel_loop3A_311 = vector.broadcast %parallel_loop3A_310 : i32 to vector<16xi32>
      %parallel_loop3A_312 = arith.cmpi sgt, %parallel_loop3A_306, %parallel_loop3A_311 : vector<16xi32>
      %parallel_loop3A_313 = arith.extui %parallel_loop3A_312 : vector<16xi1> to vector<16xi32>
      %parallel_loop3A_314 = arith.constant 0 : i32
      %parallel_loop3A_315 = vector.broadcast %parallel_loop3A_314 : i32 to vector<16xi32>
      %parallel_loop3A_316 = arith.cmpi slt, %parallel_loop3A_306, %parallel_loop3A_315 : vector<16xi32>
      %parallel_loop3A_317 = arith.extui %parallel_loop3A_316 : vector<16xi1> to vector<16xi32>
      %parallel_loop3A_318 = arith.subi %parallel_loop3A_313, %parallel_loop3A_317 : vector<16xi32>
      %parallel_loop3A_319 = arith.constant 0 : i32
      %parallel_loop3A_320 = arith.cmpi sgt, %parallel_loop3A_307, %parallel_loop3A_319 : i32
      %parallel_loop3A_321 = arith.extui %parallel_loop3A_320 : i1 to i32
      %parallel_loop3A_322 = arith.constant 0 : i32
      %parallel_loop3A_323 = arith.cmpi slt, %parallel_loop3A_307, %parallel_loop3A_322 : i32
      %parallel_loop3A_324 = arith.extui %parallel_loop3A_323 : i1 to i32
      %parallel_loop3A_325 = arith.subi %parallel_loop3A_321, %parallel_loop3A_324 : i32
      %parallel_loop3A_326 = vector.broadcast %parallel_loop3A_325 : i32 to vector<16xi32>
      %parallel_loop3A_327 = arith.cmpi ne, %parallel_loop3A_318, %parallel_loop3A_326 : vector<16xi32>
      %parallel_loop3A_328 = vector.broadcast %parallel_loop3A_307 : i32 to vector<16xi32>
      %parallel_loop3A_329 = arith.remsi %parallel_loop3A_306, %parallel_loop3A_328 : vector<16xi32>
      %parallel_loop3A_330 = arith.constant 0 : i32
      %parallel_loop3A_331 = vector.broadcast %parallel_loop3A_330 : i32 to vector<16xi32>
      %parallel_loop3A_332 = arith.cmpi ne, %parallel_loop3A_329, %parallel_loop3A_331 : vector<16xi32>
      %parallel_loop3A_333 = arith.andi %parallel_loop3A_327, %parallel_loop3A_332 : vector<16xi1>
      %parallel_loop3A_334 = arith.constant 1 : i32
      %parallel_loop3A_335 = vector.broadcast %parallel_loop3A_334 : i32 to vector<16xi32>
      %parallel_loop3A_336 = arith.subi %parallel_loop3A_309, %parallel_loop3A_335 : vector<16xi32>
      %parallel_loop3A_337 = arith.select %parallel_loop3A_333, %parallel_loop3A_336, %parallel_loop3A_309 : vector<16xi1>, vector<16xi32>
      %parallel_loop3A_338 = arith.constant 26 : i32
      %parallel_loop3A_339 = vector.broadcast %parallel_loop3A_338 : i32 to vector<16xi32>
      %parallel_loop3A_340 = arith.muli %parallel_loop3A_337, %parallel_loop3A_339 : vector<16xi32>
      %parallel_loop3A_341 = arith.subi %parallel_loop3A_306, %parallel_loop3A_340 : vector<16xi32>
      %parallel_loop3A_342 = arith.constant 0 : i32
      %parallel_loop3A_343 = arith.constant 0 : i32
      %parallel_loop3A_344 = tpu.memref_slice %arg9[%parallel_loop3A_250, %parallel_loop3A_342, %parallel_loop3A_343] : memref<2x128x26xi32, #tpu.memory_space<vmem>> -> memref<1x128x26xi32, #tpu.memory_space<vmem>>
      %parallel_loop3A_345 = tpu.memref_squeeze %parallel_loop3A_344 : memref<1x128x26xi32, #tpu.memory_space<vmem>> -> memref<128x26xi32, #tpu.memory_space<vmem>>
      %parallel_loop3A_346 = tpu.vector_load_idx %parallel_loop3A_345[%parallel_loop3A_337, %parallel_loop3A_341] : memref<128x26xi32, #tpu.memory_space<vmem>>[vector<16xi32>, vector<16xi32>], vector<16xi32>,
      %parallel_loop3A_347 = tpu.vector_load_idx %arg6[%parallel_loop3A_346] : memref<1216xi32, #tpu.memory_space<vmem>>[vector<16xi32>], vector<16xi32>,
      %parallel_loop3A_348 = arith.constant 0 : i32
      %parallel_loop3A_349 = arith.constant 0 : i32
      %parallel_loop3A_350 = tpu.memref_slice %arg10[%parallel_loop3A_251, %parallel_loop3A_348, %parallel_loop3A_349] : memref<2x128x26xi32, #tpu.memory_space<vmem>> -> memref<1x128x26xi32, #tpu.memory_space<vmem>>
      %parallel_loop3A_351 = tpu.memref_squeeze %parallel_loop3A_350 : memref<1x128x26xi32, #tpu.memory_space<vmem>> -> memref<128x26xi32, #tpu.memory_space<vmem>>
      tpu.vector_store_idx %parallel_loop3A_351[%parallel_loop3A_337, %parallel_loop3A_341], %parallel_loop3A_347 : memref<128x26xi32, #tpu.memory_space<vmem>>[vector<16xi32>, vector<16xi32>], vector<16xi32>,
    } {sc.loop_unroll_factor = 16 : i64, sc.parallel_access}
    %add3A_252 = arith.constant 384 : i32
    %add3A_253 = arith.addi %mul3A_2, %add3A_252 : i32
    %dma_start3A_254 = arith.constant 1 : i32
    %dma_start3A_255 = arith.constant 1 : i32
    %dma_start3A_256 = arith.constant 0 : i32
    %dma_start3A_257 = arith.constant 0 : i32
    %dma_start3A_258 = tpu.memref_slice %arg10[%dma_start3A_254, %dma_start3A_256, %dma_start3A_257] : memref<2x128x26xi32, #tpu.memory_space<vmem>> -> memref<1x128x26xi32, #tpu.memory_space<vmem>>
    %dma_start3A_259 = tpu.memref_squeeze %dma_start3A_258 : memref<1x128x26xi32, #tpu.memory_space<vmem>> -> memref<128x26xi32, #tpu.memory_space<vmem>>
    %dma_start3A_260 = arith.constant 0 : i32
    %dma_start3A_261 = tpu.memref_slice %arg5[%add3A_253, %dma_start3A_260] : memref<16384x26xi32, #tpu.memory_space<hbm>> -> memref<128x26xi32, #tpu.memory_space<hbm>>
    %dma_start3A_262 = tpu.memref_slice %arg12[%dma_start3A_255] : memref<2x!tpu.dma_semaphore, #tpu.memory_space<semaphore_mem>> -> memref<1x!tpu.dma_semaphore, #tpu.memory_space<semaphore_mem>>
    %dma_start3A_263 = tpu.memref_squeeze %dma_start3A_262 : memref<1x!tpu.dma_semaphore, #tpu.memory_space<semaphore_mem>> -> memref<!tpu.dma_semaphore, #tpu.memory_space<semaphore_mem>>
    %dma_start3A_264 = arith.constant 0 : i32
    %dma_start3A_265 = tpu.memref_slice %arg5[%add3A_253, %dma_start3A_264] : memref<16384x26xi32, #tpu.memory_space<hbm>> -> memref<128x26xi32, #tpu.memory_space<hbm>>
    %dma_start3A_266 = arith.constant 0 : i32
    %dma_start3A_267 = arith.constant 0 : i32
    %dma_start3A_268 = tpu.memref_slice %arg10[%dma_start3A_254, %dma_start3A_266, %dma_start3A_267] : memref<2x128x26xi32, #tpu.memory_space<vmem>> -> memref<1x128x26xi32, #tpu.memory_space<vmem>>
    %dma_start3A_269 = tpu.memref_squeeze %dma_start3A_268 : memref<1x128x26xi32, #tpu.memory_space<vmem>> -> memref<128x26xi32, #tpu.memory_space<vmem>>
    tpu.enqueue_dma source(%dma_start3A_269 : memref<128x26xi32, #tpu.memory_space<vmem>>) target(%dma_start3A_265 : memref<128x26xi32, #tpu.memory_space<hbm>>) target_semaphore(%dma_start3A_263 : memref<!tpu.dma_semaphore, #tpu.memory_space<semaphore_mem>>)
    %dma_wait3A_270 = arith.constant 0 : i32
    %dma_wait3A_271 = arith.constant 0 : i32
    %dma_wait3A_272 = arith.constant 0 : i32
    %dma_wait3A_273 = arith.constant 0 : i32
    %dma_wait3A_274 = tpu.memref_slice %arg10[%dma_wait3A_270, %dma_wait3A_272, %dma_wait3A_273] : memref<2x128x26xi32, #tpu.memory_space<vmem>> -> memref<1x128x26xi32, #tpu.memory_space<vmem>>
    %dma_wait3A_275 = tpu.memref_squeeze %dma_wait3A_274 : memref<1x128x26xi32, #tpu.memory_space<vmem>> -> memref<128x26xi32, #tpu.memory_space<vmem>>
    %dma_wait3A_276 = arith.constant 0 : i32
    %dma_wait3A_277 = tpu.memref_slice %arg5[%add3A_198, %dma_wait3A_276] : memref<16384x26xi32, #tpu.memory_space<hbm>> -> memref<128x26xi32, #tpu.memory_space<hbm>>
    %dma_wait3A_278 = tpu.memref_slice %arg12[%dma_wait3A_271] : memref<2x!tpu.dma_semaphore, #tpu.memory_space<semaphore_mem>> -> memref<1x!tpu.dma_semaphore, #tpu.memory_space<semaphore_mem>>
    %dma_wait3A_279 = tpu.memref_squeeze %dma_wait3A_278 : memref<1x!tpu.dma_semaphore, #tpu.memory_space<semaphore_mem>> -> memref<!tpu.dma_semaphore, #tpu.memory_space<semaphore_mem>>
    %dma_wait3A_280 = arith.constant 0 : i32
    %dma_wait3A_281 = tpu.memref_slice %arg5[%add3A_198, %dma_wait3A_280] : memref<16384x26xi32, #tpu.memory_space<hbm>> -> memref<128x26xi32, #tpu.memory_space<hbm>>
    %dma_wait3A_282 = arith.constant 0 : i32
    %dma_wait3A_283 = arith.constant 0 : i32
    %dma_wait3A_284 = tpu.memref_slice %arg10[%dma_wait3A_270, %dma_wait3A_282, %dma_wait3A_283] : memref<2x128x26xi32, #tpu.memory_space<vmem>> -> memref<1x128x26xi32, #tpu.memory_space<vmem>>
    %dma_wait3A_285 = tpu.memref_squeeze %dma_wait3A_284 : memref<1x128x26xi32, #tpu.memory_space<vmem>> -> memref<128x26xi32, #tpu.memory_space<vmem>>
    tpu.wait_dma2 semaphore(%dma_wait3A_279 : memref<!tpu.dma_semaphore, #tpu.memory_space<semaphore_mem>>) src(%dma_wait3A_285 : memref<128x26xi32, #tpu.memory_space<vmem>>) dst(%dma_wait3A_281 : memref<128x26xi32, #tpu.memory_space<hbm>>)
    %dma_wait3A_286 = arith.constant 1 : i32
    %dma_wait3A_287 = arith.constant 1 : i32
    %dma_wait3A_288 = arith.constant 0 : i32
    %dma_wait3A_289 = arith.constant 0 : i32
    %dma_wait3A_290 = tpu.memref_slice %arg10[%dma_wait3A_286, %dma_wait3A_288, %dma_wait3A_289] : memref<2x128x26xi32, #tpu.memory_space<vmem>> -> memref<1x128x26xi32, #tpu.memory_space<vmem>>
    %dma_wait3A_291 = tpu.memref_squeeze %dma_wait3A_290 : memref<1x128x26xi32, #tpu.memory_space<vmem>> -> memref<128x26xi32, #tpu.memory_space<vmem>>
    %dma_wait3A_292 = arith.constant 0 : i32
    %dma_wait3A_293 = tpu.memref_slice %arg5[%add3A_253, %dma_wait3A_292] : memref<16384x26xi32, #tpu.memory_space<hbm>> -> memref<128x26xi32, #tpu.memory_space<hbm>>
    %dma_wait3A_294 = tpu.memref_slice %arg12[%dma_wait3A_287] : memref<2x!tpu.dma_semaphore, #tpu.memory_space<semaphore_mem>> -> memref<1x!tpu.dma_semaphore, #tpu.memory_space<semaphore_mem>>
    %dma_wait3A_295 = tpu.memref_squeeze %dma_wait3A_294 : memref<1x!tpu.dma_semaphore, #tpu.memory_space<semaphore_mem>> -> memref<!tpu.dma_semaphore, #tpu.memory_space<semaphore_mem>>
    %dma_wait3A_296 = arith.constant 0 : i32
    %dma_wait3A_297 = tpu.memref_slice %arg5[%add3A_253, %dma_wait3A_296] : memref<16384x26xi32, #tpu.memory_space<hbm>> -> memref<128x26xi32, #tpu.memory_space<hbm>>
    %dma_wait3A_298 = arith.constant 0 : i32
    %dma_wait3A_299 = arith.constant 0 : i32
    %dma_wait3A_300 = tpu.memref_slice %arg10[%dma_wait3A_286, %dma_wait3A_298, %dma_wait3A_299] : memref<2x128x26xi32, #tpu.memory_space<vmem>> -> memref<1x128x26xi32, #tpu.memory_space<vmem>>
    %dma_wait3A_301 = tpu.memref_squeeze %dma_wait3A_300 : memref<1x128x26xi32, #tpu.memory_space<vmem>> -> memref<128x26xi32, #tpu.memory_space<vmem>>
    tpu.wait_dma2 semaphore(%dma_wait3A_295 : memref<!tpu.dma_semaphore, #tpu.memory_space<semaphore_mem>>) src(%dma_wait3A_301 : memref<128x26xi32, #tpu.memory_space<vmem>>) dst(%dma_wait3A_297 : memref<128x26xi32, #tpu.memory_space<hbm>>)
    return
  }
}

</mosaic_0001>

<sc_bundles>
// kernel: kernel.3.cloned.1.call-start
scs
__scs_entry_jumppad:
0x0: {  	(pc) =	sbr.rel $0x88, $3  }
0x1: {  	(tag) =	ssettag $0x0;
	lr =	simm.s32 $0x1  }
0x2: {  	[smem:$0x3F9E] =	sst lr;
	_ =	strace $0xD0000000  }
0x3: {  	_ = 	snop  }
0x4: {  	_ = 	snop  }
0x5: {  	_ = 	snop  }
0x6: {  	_ = 	snop  }
0x7: {  	_ = 	snop  }
__scs_overlays_trampoline_lowered:
0x8: {  	[smem:$0x3FAD] =	sst s0  }
0x9: {  	[smem:$0x3FAE] =	sst s1  }
0xa: {  	[smem:$0x3FAF] =	sst s2  }
0xb: {  	[smem:$0x3FB0] =	sst s3  }
0xc: {  	[smem:$0x3FB1] =	sst s4  }
0xd: {  	[smem:$0x3FB2] =	sst s5  }
0xe: {  	[smem:$0x3FB3] =	sst s6  }
0xf: {  	[smem:$0x3FB4] =	sst s7  }
0x10: {  	[smem:$0x3FB5] =	sst s8  }
0x11: {  	[smem:$0x3FB6] =	sst s9;
	s0 =	simm.s32 @!p0 $0x0  }
0x12: {  	s1 =	sld [smem:$0x3F9C];
	s0 =	simm.s32 @p0 $0x1  }
0x13: {  	[smem:$0x3FB7] =	sst s0;
	s0 =	simm.s32 @!p1 $0x0  }
0x14: {  	s2 =	sld [smem:$0x3F9B];
	s0 =	simm.s32 @p1 $0x1  }
0x15: {  	[smem:$0x3FB8] =	sst s0;
	s0 =	simm.s32 @!p2 $0x0  }
0x16: {  	s3 =	sld [smem:$0x3FDB];
	s0 =	simm.s32 @p2 $0x1  }
0x17: {  	s4 =	simm.s32 $0x1BF5;
	[smem:$0x3FBA] =	sst s0  }
0x18: {  	s0 =	sld [smem:$0x3F9D];
	_ =	swait.ge [sflag:s4], $0x0  }
0x19: {  	s7 =	sld [smem:$0x3F9E]  }
0x1a: {  	s8 =	sadd.s32 $0xFFFFE003, lr  }
0x1b: {  	s9 =	sadd.s32 $0xFFFFFEF7, lr;
	s5 =	simm.s32 $0xFFFFFFFF;
	p2 =	slt.u32 s8, $0xFFFFF086  }
0x1c: {  	p1 =	slt.u32 s9, $0xF7A;
	s5 =	simm.s32 @!p2 $0x0  }
0x1d: {  	s5 =	simm.s32 @p1 $0x1;
	p0 =	seq.s32 s7, s2  }
0x1e: {  	s7 =	smul.u32 @!p0 $0xF7A, s2;
	p2 =	seq.s32 @!p0 s5, $0x0  }
0x1f: {  	s9 =	smul.u32 $0xF7A, s1;
	s8 =	simm.s32 @!p0 $0x1BF5;
	p2 =	por !p2, p0  }
0x20: {  	[sflag:s8] =	ssyncset.s32 @!p0 $0xFFFFF086;
	s6 =	sadd.s32 @!p0 s3, s7;
	s7 =	simm.s32 @!p0 $0x108  }
0x21: {  	s3 =	sadd.s32 s3, s9;
	s6 =	sadd.s32 @!p0 $0x88, s6;
	s7 =	simm.s32 @p2 $0x1082  }
0x22: {  	[simem:s7], [sflag:s8] =	dma.local @!p0 [hbm:s6], $0xF7A  }
0x23: {  	s9 =	sor.u32 $0xD0000000, s2;
	s6 =	simm.s32 $0x108;
	_ =	swait.ge @!p0 [sflag:s8], $0x0  }
0x24: {  	s3 =	sadd.s32 $0x88, s3;
	s6 =	simm.s32 @!p1 $0x1082;
	[sflag:s4] =	ssyncset.s32 $0xFFFFF086  }
0x25: {  	[simem:s6], [sflag:s4] =	dma.local [hbm:s3], $0xF7A  }
0x26: {  	[smem:$0x3F9E] =	sst s1;
	(tag) =	ssettag s2;
	_ =	strace s9  }
0x27: {  	s1 =	sld [smem:$0x3FAE]  }
0x28: {  	s2 =	sld [smem:$0x3FAF]  }
0x29: {  	s4 =	sld [smem:$0x3FB1]  }
0x2a: {  	p0 =	seq.s32 s5, $0x0;
	s5 =	sld [smem:$0x3FB2]  }
0x2b: {  	s6 =	sld [smem:$0x3FB3]  }
0x2c: {  	s7 =	sld [smem:$0x3FB4]  }
0x2d: {  	s3 =	simm.s32 $0x108;
	s8 =	sld [smem:$0x3FB5]  }
0x2e: {  	s3 =	simm.s32 @!p0 $0x1082;
	s9 =	sld [smem:$0x3FB6]  }
0x2f: {  	lr =	sadd.s32 s0, s3;
	s0 =	sld [smem:$0x3FAD]  }
0x30: {  	s3 =	sld [smem:$0x3FB0]  }
0x31: {  	[smem:$0x3FB9] =	sst s10  }
0x32: {  	s10 =	sld [smem:$0x3FB7];
	_ =	sdelay $0x3  }
0x33: {  	p0 =	seq.s32 s10, $0x1;
	s10 =	sld [smem:$0x3FB9];
	_ =	sdelay $0x3  }
0x34: {  	[smem:$0x3FB9] =	sst s10  }
0x35: {  	s10 =	sld [smem:$0x3FB8];
	_ =	sdelay $0x3  }
0x36: {  	p1 =	seq.s32 s10, $0x1;
	s10 =	sld [smem:$0x3FB9];
	_ =	sdelay $0x3  }
0x37: {  	[smem:$0x3FB9] =	sst s10  }
0x38: {  	s10 =	sld [smem:$0x3FBA]  }
0x39: {  	_ = 	snop;
	(pc) =	sbr.ind lr, $3  }
0x3a: {  	_ = 	snop  }
0x3b: {  	_ = 	snop  }
0x3c: {  	p2 =	seq.s32 s10, $0x1;
	s10 =	sld [smem:$0x3FB9]  }
0x3d: {  	_ =	shalt  }
0x3e: {  	_ =	shalt  }
0x3f: {  	_ =	shalt  }
0x40: {  	_ =	shalt  }
0x41: {  	_ =	shalt  }
0x42: {  	_ =	shalt  }
0x43: {  	_ =	shalt  }
0x44: {  	_ =	shalt  }
0x45: {  	_ =	shalt  }
0x46: {  	_ =	shalt  }
0x47: {  	_ =	shalt  }
0x48: {  	_ =	shalt  }
0x49: {  	_ =	shalt  }
0x4a: {  	_ =	shalt  }
0x4b: {  	_ =	shalt  }
0x4c: {  	_ =	shalt  }
0x4d: {  	_ =	shalt  }
0x4e: {  	_ =	shalt  }
0x4f: {  	_ =	shalt  }
0x50: {  	_ =	shalt  }
0x51: {  	_ =	shalt  }
0x52: {  	_ =	shalt  }
0x53: {  	_ =	shalt  }
0x54: {  	_ =	shalt  }
0x55: {  	_ =	shalt  }
0x56: {  	_ =	shalt  }
0x57: {  	_ =	shalt  }
0x58: {  	_ =	shalt  }
0x59: {  	_ =	shalt  }
0x5a: {  	_ =	shalt  }
0x5b: {  	_ =	shalt  }
0x5c: {  	_ =	shalt  }
0x5d: {  	_ =	shalt  }
0x5e: {  	_ =	shalt  }
0x5f: {  	_ =	shalt  }
0x60: {  	_ =	shalt  }
0x61: {  	_ =	shalt  }
0x62: {  	_ =	shalt  }
0x63: {  	_ =	shalt  }
0x64: {  	_ =	shalt  }
0x65: {  	_ =	shalt  }
0x66: {  	_ =	shalt  }
0x67: {  	_ =	shalt  }
0x68: {  	_ =	shalt  }
0x69: {  	_ =	shalt  }
0x6a: {  	_ =	shalt  }
0x6b: {  	_ =	shalt  }
0x6c: {  	_ =	shalt  }
0x6d: {  	_ =	shalt  }
0x6e: {  	_ =	shalt  }
0x6f: {  	_ =	shalt  }
0x70: {  	_ =	shalt  }
0x71: {  	_ =	shalt  }
0x72: {  	_ =	shalt  }
0x73: {  	_ =	shalt  }
0x74: {  	_ =	shalt  }
0x75: {  	_ =	shalt  }
0x76: {  	_ =	shalt  }
0x77: {  	_ =	shalt  }
0x78: {  	_ =	shalt  }
0x79: {  	_ =	shalt  }
0x7a: {  	_ =	shalt  }
0x7b: {  	_ =	shalt  }
0x7c: {  	_ =	shalt  }
0x7d: {  	_ =	shalt  }
0x7e: {  	_ =	shalt  }
0x7f: {  	_ =	shalt  }
0x80: {  	_ =	shalt  }
0x81: {  	_ =	shalt  }
0x82: {  	_ =	shalt  }
0x83: {  	_ =	shalt  }
0x84: {  	_ =	shalt  }
0x85: {  	_ =	shalt  }
0x86: {  	_ =	shalt  }
0x87: {  	_ =	shalt  }
.Lfunc_end0:
.L_simem_size_0:
called_computation_lowered:
.L_overlay_start_0:
0x88: {  	s2 =	sld [smem:$0x3FD9]  }
0x89: {  	s3 =	sld [smem:$0x3FFE];
	_ =	sdelay $0x1  }
0x8a: {  	s1 =	srdreg.scid  }
0x8b: {  	s0 =	sand.u32 $0x1, s1  }
0x8c: {  	s17 =	sshll.u32 s0, $0xA;
	s2 =	sadd.s32 s3, s2  }
0x8d: {  	s2 =	sadd.s32 s2, s17  }
0x8e: {  	[smem:$0x3FC5] =	sst s2  }
0x8f: {  	_ = 	snop  }
0x90: {  	s2 =	sld [smem:$0x3FC8]  }
0x91: {  	s18 =	sld [smem:$0x3FC7];
	(tm) =	ssettm $0x1  }
0x92: {  	s4 =	sld [smem:$0x3FFB];
	_ =	sdelay $0x3  }
0x93: {  	_ =	strace s4  }
0x94: {  	s4 =	sld [smem:$0x3FFC];
	_ =	sdelay $0x3  }
0x95: {  	_ =	strace s4  }
0x96: {  	s4 =	sld [smem:$0x3FFD];
	_ =	sdelay $0x3  }
0x97: {  	_ =	strace s4  }
0x98: {  	_ =	strace $0x8FFFFFFF  }
0x99: {  	s19 =	sld [smem:$0x3FDB];
	_ =	sdelay $0x1  }
0x9a: {  	s5 =	simm.s32 $_scs_section_size  }
0x9b: {  	s6 =	simm.s32 $_size__tile_overlayer_lowered;
	s7 =	simm.s32 $_tile_overlayer_lowered  }
0x9c: {  	s22 =	simm.s32 $0x1BFF;
	s21 =	sshll.u32 s7, $0x1;
	s4 =	sadd.s32 s5, s19  }
0x9d: {  	s8 =	simm.s32 $0x0;
	s20 =	sshll.u32 s6, $0x1;
	s6 =	sadd.s32 s21, s4  }
0x9e: {  	[timem:s8], [sflag:s22] =	dma.local [hbm:s6], s20  }
0x9f: {  	_ =	swait.ge [sflag:s22], s20  }
0xa0: {  	s5 =	ssub.s32 $0x0, s20;
	[sflag:s22] =	ssyncset.done $0x0  }
0xa1: {  	[sflag:s22] =	ssyncadd.s32 s5;
	_ =	sdelay $0x1  }
0xa2: {  	s23 =	simm.s32 $0x1B8B  }
0xa3: {  	_ =	swait.ge [sflag:s23], $0x1  }
0xa4: {  	[sflag:s23] =	ssyncset.done $0x0  }
0xa5: {  	s25 =	simm.s32 $0x1B8E;
	s24 =	sld [smem:$0x3FFE];
	[sflag:s23] =	ssyncadd.s32 $0xFFFFFFFF  }
0xa6: {  	s26 =	simm.s32 $execute0_lowered;
	[smem:$0x3FD2] =	sst s25  }
0xa7: {  	s6 =	sshll.u32 s26, $0x1;
	_ =	strace $0x80000046;
	[dreg:$0x1] =	wrdreg $0xFFFFFFFF  }
0xa8: {  	s28 =	simm.s32 $_size_execute0_lowered;
	s4 =	sadd.s32 s4, s6;
	[dreg:$0x0] =	wrdreg $0x0  }
0xa9: {  	s6 =	sshll.u32 s28, $0x1;
	[dreg:$0x2] =	wrdreg s4  }
0xaa: {  	[dreg:$0x3] =	wrdreg s6  }
0xab: {  	[dreg:$0x4] =	wrdreg $0xC0  }
0xac: {  	_ =	task [dreg:s8], $0x5FFFF  }
0xad: {  	[dreg:$0x1] =	wrdreg $0xFFFFFFFF  }
0xae: {  	[dreg:$0x0] =	wrdreg $0x60  }
0xaf: {  	[dreg:$0x2] =	wrdreg s24  }
0xb0: {  	[dreg:$0x3] =	wrdreg s2  }
0xb1: {  	[dreg:$0x4] =	wrdreg s18  }
0xb2: {  	[dreg:$0x5] =	wrdreg $0x9  }
0xb3: {  	_ =	task.clear_ibuf [dreg:s8], $0x6FFFF;
	_ =	strace $0x90000046  }
0xb4: {  	s29 =	simm.s32 $0x9;
	_ =	strace $0x80000048  }
0xb5: {  	_ =	swait.ge [sflag:s29], $0x1  }
0xb6: {  	[sflag:s29] =	ssyncadd.s32 $0xFFFFFFFF  }
0xb7: {  	_ =	strace $0x90000048  }
0xb8: {  	_ =	sfence  }
0xb9: {  	s30 =	sld [smem:$0x0];
	_ =	sdelay $0x2  }
0xba: {  	s31 =	sshll.u32 s1, $0xD;
	s1 =	sshrl.u32 s1, $0x2  }
0xbb: {  	s3 =	sand.u32 $0x4000, s31;
	s1 =	sadd.s32 s1, s30  }
0xbc: {  	s0 =	sor.u32 s3, s0;
	s1 =	sshll.u32 s1, $0x11  }
0xbd: {  	s0 =	sor.u32 s1, s0  }
0xbe: {  	s0 =	sadd.s32 $0x8F2B, s0  }
0xbf: {  	[sflag:s0] =	ssyncadd.remote.s32 $0x1  }
0xc0: {  	_ =	sfence.sel $0xFFFF  }
0xc1: {  	[dreg:$0x0] =	wrdreg $0xFFFFFFFF;
	(pc) =	sbr.abs _section_cstart, $3  }
0xc2: {  	[dreg:$0x1] =	wrdreg $0xFFFFFFFF  }
0xc3: {  	_ =	task.clear_ibuf [dreg:s8], $0x2FFFF;
	_ =	strace $0x9FFFFFFF  }
0xc4: {  	(tm) =	ssettm $0x7FFFFFFF  }
0xc5: {  	_ =	shalt  }
tec
execute0_lowered:
.L_overlay_start_1:
0x0: {  	(tag) =	ssettag $0x1  }
0x1: {  	s5 =	rddreg [dreg:$0x0]  }
0x2: {  	s1 =	rddreg [dreg:$0x1]  }
0x3: {  	s2 =	rddreg [dreg:$0x2];
	s4 =	simm.s32 $0x0;
	s6 =	srdreg.scid  }
0x4: {  	s0 =	stileid.u32;
	s15 =	simm.s32 $0x4D00;
	s16 =	simm.s32 $0x500  }
0x5: {  	s17 =	simm.s32 $0x5;
	s18 =	simm.s32 $0x900;
	s19 =	simm.s32 $0x1  }
0x6: {  	s20 =	simm.s32 $0x8D00;
	s21 =	simm.s32 $0x2;
	s22 =	simm.s32 $0xCD00  }
0x7: {  	s23 =	simm.s32 $0x3;
	s24 =	simm.s32 $0x4;
	s25 =	simm.s32 $0x0  }
0x8: {  	[smem:$0x7FF] =	sst s4;
	s6 =	sand.u32 $0x1, s6;
	s7 =	sshll.u32 s0, $0xE  }
0x9: {  	s10 =	sadd.s32 $0x600, s5;
	s8 =	sshll.u32 s6, $0xD;
	s6 =	ssub.s32 $0x2, s6  }
0xa: {  	s12 =	sadd.s32 $0x40600, s5;
	s8 =	sor.u32 s8, s7;
	s31 =	sshrl.u32 s6, $0x1  }
0xb: {  	_ =	strace $0x80000047;
	s9 =	sor.u32 $0x800, s8;
	s13 =	ssub.s32 s6, s31  }
0xc: {  	s5 =	sadd.s32 s10, s8;
	s7 =	sadd.s32 s12, s8;
	s11 =	sor.u32 $0x1000, s8  }
0xd: {  	s14 =	sor.u32 $0x1800, s8;
	s6 =	sadd.s32 s10, s9;
	s8 =	sadd.s32 s10, s11  }
0xe: {  	s9 =	sadd.s32 s12, s9;
	s10 =	sadd.s32 s10, s14;
	s11 =	sadd.s32 s12, s11  }
0xf: {  	v52 =	vlaneseq.u32;
	s12 =	sadd.s32 s12, s14;
	s13 =	smax.u32 s13, $0x1;
	s14 =	simm.s32 $0xD00  }
.LBB2_1:
0x10: {  	[tilespmem:s14], [sflag:$0x1] =	stream.linear.gather [hbm4b:s5+s4], $0x4000, $0x38;
	[tilespmem:$0x10D00] =	vst v63  }
0x11: {  	_ = 	snop  }
0x12: {  	[tilespmem:s15], [sflag:$0x2] =	stream.linear.gather [hbm4b:s6+s4], $0x4000, $0x38;
	[tilespmem:$0x10D00] =	vst v63  }
0x13: {  	_ = 	snop  }
0x14: {  	[tilespmem:s16], [sflag:$0x5] =	stream.linear.gather [hbm4b:s1+s4], $0x400, $0x38;
	[tilespmem:$0x10D00] =	vst v63  }
0x15: {  	_ =	swait.ge [sflag:s17], $0x400  }
0x16: {  	[sflag:s17] =	ssyncset.done $0x0  }
0x17: {  	[sflag:s17] =	ssyncadd.s32 $0xFFFFFC00  }
0x18: {  	[tilespmem:s18], [sflag:$0x5] =	stream.linear.gather [hbm4b:s2+s4], $0x400, $0x38;
	[tilespmem:$0x10D00] =	vst v63  }
0x19: {  	_ =	swait.ge [sflag:s17], $0x400  }
0x1a: {  	[sflag:s17] =	ssyncset.done $0x0  }
0x1b: {  	s26 =	simm.s32 $0x40;
	v0 =	vimm.s32 $0x0;
	[sflag:s17] =	ssyncadd.s32 $0xFFFFFC00  }
0x1c: {  	[tilespmem:s26+$0xFFFFFFC0] =	vst v0  }
0x1d: {  	[tilespmem:s26+$0x30] =	vst v0  }
0x1e: {  	[tilespmem:s26+$0x20] =	vst v0  }
0x1f: {  	[tilespmem:s26+$0x10] =	vst v0  }
0x20: {  	[tilespmem:s26+$0x0] =	vst v0  }
0x21: {  	[tilespmem:s26+$0xFFFFFFF0] =	vst v0  }
0x22: {  	s28 =	simm.s32 $0x0;
	[tilespmem:s26+$0xFFFFFFE0] =	vst v0  }
.LBB2_2:
0x23: {  	v0 =	vimm.s32 $0x0  }
0x24: {  	s28 =	sadd.s32 $0x8, s28;
	[tilespmem:s26+$0xFFFFFFD0] =	vst v0;
	s26 =	sadd.s32 $0x80, s26  }
0x25: {  	p0 =	slt.u32 s28, $0x40;
	[tilespmem:s26+$0xFFFFFFC0] =	vst v0  }
0x26: {  	[tilespmem:s26+$0x30] =	vst v0  }
.Ltmp0:
0x27: {  	[tilespmem:s26+$0x20] =	vst v0;
	(pc) =	sbr.rel @p0 .LBB2_2-.Ltmp0, $4  }
0x28: {  	[tilespmem:s26+$0x10] =	vst v0  }
0x29: {  	[tilespmem:s26+$0x0] =	vst v0  }
0x2a: {  	[tilespmem:s26+$0xFFFFFFF0] =	vst v0  }
0x2b: {  	[tilespmem:s26+$0xFFFFFFE0] =	vst v0  }
0x2c: {  	v0 =	vimm.s32 $0x0  }
0x2d: {  	[tilespmem:s26+$0xFFFFFFD0] =	vst v0;
	s26 =	simm.s32 $0x0  }
.LBB2_4:
0x2e: {  	p0 =	sne.s32 s26, $0xC0  }
.Ltmp1:
0x2f: {  	_ = 	snop;
	(pc) =	sbr.rel @p0 .LBB2_4-.Ltmp1, $3  }
0x30: {  	_ =	sdelay $0x1  }
0x31: {  	s28 =	sshra.s32 s26, $0x2;
	v0 =	vimm.s32 $0x0  }
0x32: {  	s26 =	sadd.s32 $0x40, s26;
	[tilespmem:s28+$0x480] =	vst v0  }
0x33: {  	s26 =	simm.s32 $0x520  }
0x34: {  	v2 =	vld [tilespmem:s26+$0x10]  }
0x35: {  	v6 =	vld [tilespmem:s26+$0xFFFFFFF0]  }
0x36: {  	s28 =	simm.s32 $0x920;
	v4 =	vld [tilespmem:s26+$0x0]  }
0x37: {  	v8 =	vld [tilespmem:s28+$0x10]  }
0x38: {  	v3 =	vld [tilespmem:s26+$0xFFFFFFE0]  }
0x39: {  	v5 =	vld [tilespmem:s28+$0xFFFFFFE0]  }
0x3a: {  	v9 =	vld [tilespmem:s28+$0xFFFFFFF0]  }
0x3b: {  	s29 =	simm.s32 $0x0;
	s30 =	simm.s32 $0x560;
	s26 =	simm.s32 $0x0;
	v7 =	vld [tilespmem:s28+$0x0]  }
.LBB2_6:
0x3c: {  	s29 =	sadd.s32 $0x4, s29;
	[tilespmem:v2+s26+$0x0] =	vst.idx.msk $0xffff, v8;
	v2 =	vld [tilespmem:s30+$0x10]  }
0x3d: {  	v10 =	vld [tilespmem:s30+$0xFFFFFFF0];
	p0 =	slt.u32 s29, $0x38  }
0x3e: {  	s28 =	sadd.s32 $0x40, s28;
	v11 =	vld [tilespmem:s30+$0x0]  }
.Ltmp2:
0x3f: {  	v8 =	vld [tilespmem:s28+$0x10];
	[tilespmem:v6+s26+$0x0] =	vst.idx.msk $0xffff, v9;
	(pc) =	sbr.rel @p0 .LBB2_6-.Ltmp2, $4  }
0x40: {  	[tilespmem:v3+s26+$0x0] =	vst.idx.msk $0xffff, v5;
	v3 =	vld [tilespmem:s30+$0xFFFFFFE0]  }
0x41: {  	v5 =	vld [tilespmem:s28+$0xFFFFFFE0];
	[tilespmem:v4+s26+$0x0] =	vst.idx.msk $0xffff, v7  }
0x42: {  	v9 =	vld [tilespmem:s28+$0xFFFFFFF0];
	v6 =	vmov v10  }
0x43: {  	s30 =	sadd.s32 $0x40, s30;
	v7 =	vld [tilespmem:s28+$0x0];
	v4 =	vmov v11  }
0x44: {  	_ =	sdelay $0x3  }
0x45: {  	[tilespmem:v2+s26+$0x0] =	vst.idx.msk $0xffff, v8  }
0x46: {  	[tilespmem:v3+s26+$0x0] =	vst.idx.msk $0xffff, v5  }
0x47: {  	[tilespmem:v6+s26+$0x0] =	vst.idx.msk $0xffff, v9  }
0x48: {  	[tilespmem:v4+s26+$0x0] =	vst.idx.msk $0xffff, v7  }
.LBB2_8:
0x49: {  	s28 =	sshra.s32 s26, $0x2  }
0x4a: {  	v2 =	vld [tilespmem:s28+$0x8C0];
	_ =	sdelay $0x2  }
0x4b: {  	p0 =	sne.s32 s26, $0x40;
	v3 =	vld [tilespmem:s28+$0xCC0]  }
.Ltmp3:
0x4c: {  	_ = 	snop;
	(pc) =	sbr.rel @p0 .LBB2_8-.Ltmp3, $2  }
0x4d: {  	_ =	sdelay $0x2  }
0x4e: {  	s26 =	sadd.s32 $0x40, s26;
	[tilespmem:v2+s4+$0x0] =	vst.idx.msk $0xffff, v3  }
0x4f: {  	s26 =	simm.s32 $0xF0  }
0x50: {  	s28 =	simm.s32 $0x0;
	v2 =	vor.u32 s26, v52  }
0x51: {  	s29 =	simm.s32 $0x10;
	v3 =	vor.u32 s28, v52;
	v5 =	vmulhi.u32 $0x4EC4EC4F, v2  }
0x52: {  	s0 =	simm.s32 $0x30;
	v4 =	vor.u32 s29, v52;
	v6 =	vmulhi.u32 $0x4EC4EC4F, v3  }
0x53: {  	s3 =	simm.s32 $0x40;
	v8 =	vor.u32 s0, v52;
	v21 =	vmulhi.u32 $0x4EC4EC4F, v4  }
0x54: {  	s31 =	simm.s32 $0x20;
	s30 =	simm.s32 $0x60;
	v9 =	vor.u32 s3, v52;
	v24 =	vmulhi.u32 $0x4EC4EC4F, v8  }
0x55: {  	v7 =	vor.u32 s31, v52;
	s31 =	simm.s32 $0x50;
	v11 =	vor.u32 s30, v52;
	v26 =	vmulhi.u32 $0x4EC4EC4F, v9  }
0x56: {  	s0 =	simm.s32 $0x70;
	v10 =	vor.u32 s31, v52;
	v28 =	vmulhi.u32 $0x4EC4EC4F, v11  }
0x57: {  	v0 =	vimm.s32 $0x0;
	s3 =	simm.s32 $0x80;
	v12 =	vor.u32 s0, v52;
	v54 =	vmulhi.u32 $0x4EC4EC4F, v10  }
0x58: {  	v17 =	vmov s28;
	s28 =	simm.s32 $0xD0;
	v13 =	vor.u32 s3, v52;
	v55 =	vmulhi.u32 $0x4EC4EC4F, v12  }
0x59: {  	s31 =	simm.s32 $0x90;
	vm0 =	veq.s32 v17, v52;
	v17 =	vor.u32 s28, v52;
	v56 =	vmulhi.u32 $0x4EC4EC4F, v13  }
0x5a: {  	s0 =	simm.s32 $0xA0;
	s3 =	simm.s32 $0xB0;
	v18 =	vsub.s32 $0x0, v3;
	v15 =	vor.u32 s31, v52;
	v36 =	vmulhi.u32 $0x4EC4EC4F, v17  }
0x5b: {  	v16 =	vor.u32 s0, v52;
	v19 =	vor.u32 s3, v52;
	v29 =	vmulhi.u32 $0x4EC4EC4F, v15  }
0x5c: {  	v6 =	vshrl.u32 v6, $0x3;
	v5 =	vshrl.u32 v5, $0x3;
	v30 =	vmulhi.u32 $0x4EC4EC4F, v16  }
0x5d: {  	v21 =	vshrl.u32 v21, $0x3;
	v28 =	vshrl.u32 v28, $0x3;
	v32 =	vmulhi.u32 $0x4EC4EC4F, v19  }
0x5e: {  	v14 =	vmul.u32 $0xFFFFFFE6, v6;
	v22 =	vmul.u32 $0xFFFFFFE6, v5;
	v25 =	vmul.u32 $0xFFFFFFE6, v21  }
0x5f: {  	v39 =	vmul.u32 $0xFFFFFFE6, v28;
	v36 =	vshrl.u32 v36, $0x3;
	v21 =	vshll.u32 v21, $0x7  }
0x60: {  	v46 =	vld [tilespmem:$0x8D8];
	v28 =	vshll.u32 v28, $0x7;
	v5 =	vshll.u32 v5, $0x7;
	v29 =	vshrl.u32 v29, $0x3  }
0x61: {  	s30 =	simm.s32 $0xC0;
	v30 =	vshrl.u32 v30, $0x3;
	v32 =	vshrl.u32 v32, $0x3;
	v57 =	vmul.u32 $0xFFFFFFE6, v36  }
0x62: {  	s31 =	simm.s32 $0xE0;
	v36 =	vshll.u32 v36, $0x7;
	vm1 =	vne.s32 v14, v18;
	v14 =	vor.u32 s30, v52  }
0x63: {  	v58 =	vld [tilespmem:$0xCD8];
	v18 =	vor.u32 s31, v52;
	v42 =	vmul.u32 $0xFFFFFFE6, v29;
	v43 =	vmul.u32 $0xFFFFFFE6, v30  }
0x64: {  	v44 =	vmul.u32 $0xFFFFFFE6, v32;
	v4 =	vadd.s32 v4, v25;
	v11 =	vadd.s32 v11, v39  }
0x65: {  	v2 =	vadd.s32 v2, v22;
	v29 =	vshll.u32 v29, $0x7;
	v30 =	vshll.u32 v30, $0x7  }
0x66: {  	v32 =	vshll.u32 v32, $0x7;
	vm0 =	vmand vm0, vm1;
	v34 =	vmulhi.u32 $0x4EC4EC4F, v14  }
0x67: {  	v38 =	vmulhi.u32 $0x4EC4EC4F, v18;
	v17 =	vadd.s32 v17, v57;
	v39 =	vand.u32 $0xFFFFFF80, v11  }
0x68: {  	[tilespmem:v46+s4+$0x0] =	vst.idx.msk $0xffff, v58;
	v53 =	vand.u32 $0xFFFFFF80, v2;
	v58 =	vand.u32 $0x7F, v11;
	v20 =	vsel vm0, $0xFFFFFFFF, v0  }
0x69: {  	v16 =	vadd.s32 v16, v43;
	v19 =	vadd.s32 v19, v44;
	v50 =	vand.u32 $0xFFFFFF80, v17  }
0x6a: {  	v17 =	vand.u32 $0x7F, v17;
	v6 =	vadd.s32 v20, v6;
	v20 =	vmulhi.u32 $0x4EC4EC4F, v7  }
0x6b: {  	v34 =	vshrl.u32 v34, $0x3;
	v38 =	vshrl.u32 v38, $0x3;
	v63 =	vand.u32 $0xFFFFFF80, v16  }
0x6c: {  	v48 =	vand.u32 $0xFFFFFF80, v19;
	v50 =	vadd.s32 v36, v50;
	v23 =	vmul.u32 $0xFFFFFFE6, v6  }
0x6d: {  	v6 =	vshll.u32 v6, $0x7;
	v45 =	vmul.u32 $0xFFFFFFE6, v34;
	v47 =	vmul.u32 $0xFFFFFFE6, v38  }
0x6e: {  	v34 =	vshll.u32 v34, $0x7;
	v38 =	vshll.u32 v38, $0x7;
	v48 =	vadd.s32 v32, v48  }
0x6f: {  	v20 =	vshrl.u32 v20, $0x3;
	v3 =	vadd.s32 v3, v23;
	v23 =	vshrl.u32 v24, $0x3  }
0x70: {  	v24 =	vshrl.u32 v54, $0x3;
	v31 =	vmul.u32 $0xFFFFFFE6, v20;
	v14 =	vadd.s32 v14, v45  }
0x71: {  	v18 =	vadd.s32 v18, v47;
	v20 =	vshll.u32 v20, $0x7;
	v27 =	vand.u32 $0xFFFFFF80, v3  }
0x72: {  	v3 =	vand.u32 $0x7F, v3;
	v33 =	vmul.u32 $0xFFFFFFE6, v23;
	v37 =	vmul.u32 $0xFFFFFFE6, v24  }
0x73: {  	v49 =	vand.u32 $0xFFFFFF80, v14;
	v51 =	vand.u32 $0xFFFFFF80, v18;
	v23 =	vshll.u32 v23, $0x7  }
0x74: {  	v24 =	vshll.u32 v24, $0x7;
	v6 =	vadd.s32 v6, v27;
	v27 =	vshrl.u32 v55, $0x3  }
0x75: {  	v7 =	vadd.s32 v7, v31;
	v49 =	vadd.s32 v34, v49;
	v3 =	vor.u32 v3, v6  }
0x76: {  	v6 =	vshrl.u32 v26, $0x3;
	v26 =	vshrl.u32 v56, $0x3;
	v40 =	vmul.u32 $0xFFFFFFE6, v27  }
0x77: {  	v8 =	vadd.s32 v8, v33;
	v10 =	vadd.s32 v10, v37;
	v33 =	vadd.s32 v15, v42  }
0x78: {  	v15 =	vand.u32 $0xFFFFFF80, v4;
	v59 =	vand.u32 $0xFFFFFF80, v7;
	v27 =	vshll.u32 v27, $0x7  }
0x79: {  	_ =	swait.ge [sflag:s19], $0x4000;
	v56 =	vadd.s32 v28, v39;
	v42 =	vadd.s32 v30, v63;
	v4 =	vand.u32 $0x7F, v4  }
0x7a: {  	[sflag:s19] =	ssyncset.done $0x0;
	v7 =	vand.u32 $0x7F, v7;
	v63 =	vand.u32 $0x7F, v14;
	v35 =	vmul.u32 $0xFFFFFFE6, v6  }
0x7b: {  	[sflag:s19] =	ssyncadd.s32 $0xFFFFC000;
	v41 =	vmul.u32 $0xFFFFFFE6, v26;
	v60 =	vand.u32 $0xFFFFFF80, v8;
	v37 =	vand.u32 $0xFFFFFF80, v10  }
0x7c: {  	v62 =	vand.u32 $0xFFFFFF80, v33;
	v21 =	vadd.s32 v21, v15;
	v6 =	vshll.u32 v6, $0x7;
	v15 =	vld.idx.msk [tilespmem:v3+s14+$0x0], $0xffff  }
0x7d: {  	v26 =	vshll.u32 v26, $0x7;
	v20 =	vadd.s32 v20, v59;
	v8 =	vand.u32 $0x7F, v8  }
0x7e: {  	v10 =	vand.u32 $0x7F, v10;
	v33 =	vand.u32 $0x7F, v33;
	v12 =	vadd.s32 v12, v40  }
0x7f: {  	v54 =	vadd.s32 v23, v60;
	v55 =	vadd.s32 v24, v37;
	v1 =	vadd.s32 v29, v62  }
0x80: {  	v62 =	vand.u32 $0x7F, v19;
	v14 =	vor.u32 v4, v21;
	v19 =	vadd.s32 v5, v53  }
0x81: {  	v53 =	vor.u32 v63, v49;
	v9 =	vadd.s32 v9, v35;
	v13 =	vadd.s32 v13, v41  }
0x82: {  	v40 =	vand.u32 $0xFFFFFF80, v12;
	v59 =	vand.u32 $0x7F, v12;
	v12 =	vor.u32 v8, v54  }
0x83: {  	v10 =	vor.u32 v10, v55;
	v55 =	vor.u32 v62, v48;
	v54 =	vor.u32 v17, v50  }
0x84: {  	v35 =	vand.u32 $0xFFFFFF80, v9;
	v61 =	vand.u32 $0xFFFFFF80, v13;
	v0 =	vadd.s32 v27, v40;
	v57 =	vld.idx.msk [tilespmem:v15+s4+$0x0], $0xffff  }
0x85: {  	v9 =	vand.u32 $0x7F, v9;
	v60 =	vand.u32 $0x7F, v13;
	v13 =	vor.u32 v7, v20  }
0x86: {  	v6 =	vadd.s32 v6, v35;
	v26 =	vadd.s32 v26, v61;
	v61 =	vand.u32 $0x7F, v16  }
0x87: {  	v16 =	vand.u32 $0x7F, v18;
	v8 =	vor.u32 v59, v0;
	v11 =	vor.u32 v9, v6  }
0x88: {  	v9 =	vor.u32 v58, v56;
	v7 =	vor.u32 v60, v26;
	v6 =	vor.u32 v33, v1  }
0x89: {  	s26 =	simm.s32 $0x0;
	s28 =	simm.s32 $0x1F0;
	v18 =	vand.u32 $0x7F, v2;
	v56 =	vor.u32 v61, v42;
	v15 =	vadd.s32 v38, v51;
	[tilespmem:v3+s20+$0x0] =	vst.idx.msk $0xffff, v57  }
.LBB2_10:
0x8a: {  	s29 =	sadd.s32 $0xFFFFFF10, s28;
	v17 =	vor.u32 s28, v52;
	v3 =	vor.u32 v16, v15  }
0x8b: {  	s30 =	sadd.s32 $0xFFFFFF20, s28;
	v2 =	vor.u32 v18, v19;
	s0 =	sadd.s32 $0xFFFFFF30, s28;
	v0 =	vimm.s32 $0x0;
	v32 =	vor.u32 s29, v52  }
0x8c: {  	v31 =	vld.idx.msk [tilespmem:v14+s14+$0x0], $0xffff;
	s31 =	sadd.s32 $0xFFFFFF40, s28;
	s3 =	sadd.s32 $0xFFFFFF60, s28;
	v19 =	vor.u32 s30, v52;
	v18 =	vmulhi.u32 $0x4EC4EC4F, v17;
	v20 =	vor.u32 s0, v52  }
0x8d: {  	v33 =	vld.idx.msk [tilespmem:v13+s14+$0x0], $0xffff;
	v21 =	vor.u32 s31, v52;
	s30 =	sadd.s32 $0xFFFFFF50, s28;
	v22 =	vor.u32 s3, v52;
	v25 =	vmulhi.u32 $0x4EC4EC4F, v32  }
0x8e: {  	v34 =	vld.idx.msk [tilespmem:v12+s14+$0x0], $0xffff;
	s0 =	sadd.s32 $0xFFFFFF70, s28;
	s31 =	sadd.s32 $0xFFFFFFA0, s28;
	v38 =	vmov s29;
	v24 =	vor.u32 s30, v52;
	v45 =	vmulhi.u32 $0x4EC4EC4F, v19  }
0x8f: {  	v35 =	vld.idx.msk [tilespmem:v11+s14+$0x0], $0xffff;
	v23 =	vor.u32 s0, v52;
	v29 =	vor.u32 s31, v52;
	v60 =	vmulhi.u32 $0x4EC4EC4F, v20  }
0x90: {  	v36 =	vld.idx.msk [tilespmem:v10+s14+$0x0], $0xffff;
	s0 =	sadd.s32 $0xFFFFFF80, s28;
	s30 =	sadd.s32 $0xFFFFFFC0, s28;
	v39 =	vsub.s32 $0x0, v32;
	vm0 =	veq.s32 v38, v52;
	v61 =	vmulhi.u32 $0x4EC4EC4F, v21  }
0x91: {  	v37 =	vld.idx.msk [tilespmem:v9+s14+$0x0], $0xffff;
	s31 =	sadd.s32 $0xFFFFFFF0, s28;
	v63 =	vmulhi.u32 $0x4EC4EC4F, v22;
	v26 =	vor.u32 s0, v52;
	v40 =	vor.u32 s30, v52  }
0x92: {  	v41 =	vld.idx.msk [tilespmem:v8+s14+$0x0], $0xffff;
	s3 =	sadd.s32 $0xFFFFFF90, s28;
	v43 =	vor.u32 s31, v52;
	v18 =	vshrl.u32 v18, $0x3;
	v62 =	vmulhi.u32 $0x4EC4EC4F, v24  }
0x93: {  	v46 =	vld.idx.msk [tilespmem:v56+s14+$0x0], $0xffff;
	s0 =	sadd.s32 $0xFFFFFFB0, s28;
	v57 =	vmulhi.u32 $0x4EC4EC4F, v23;
	v27 =	vshrl.u32 v25, $0x3;
	v25 =	vor.u32 s3, v52  }
0x94: {  	v49 =	vld.idx.msk [tilespmem:v55+s14+$0x0], $0xffff;
	s3 =	sadd.s32 $0xFFFFFFD0, s28;
	v30 =	vor.u32 s0, v52;
	s0 =	sadd.s32 $0xFFFFFFE0, s28;
	v48 =	vmul.u32 $0xFFFFFFE6, v18;
	v28 =	vmul.u32 $0xFFFFFFE6, v27  }
0x95: {  	v16 =	vmovc v55;
	[tilespmem:$0x1FFE0] =	vst v3;
	v38 =	vor.u32 s3, v52;
	v42 =	vor.u32 s0, v52;
	v55 =	vld.idx.msk [tilespmem:v3+s14+$0x0], $0xffff;
	v3 =	vmulhi.u32 $0x4EC4EC4F, v26  }
0x96: {  	v51 =	vld.idx.msk [tilespmem:v53+s14+$0x0], $0xffff;
	v57 =	vshrl.u32 v57, $0x3;
	v4 =	vmulhi.u32 $0x4EC4EC4F, v42;
	v17 =	vadd.s32 v17, v48  }
0x97: {  	vm1 =	vne.s32 v28, v39;
	v39 =	vld.idx.msk [tilespmem:v7+s14+$0x0], $0xffff;
	v28 =	vshrl.u32 v60, $0x3;
	v60 =	vmulhi.u32 $0x4EC4EC4F, v25  }
0x98: {  	v15 =	vmovc v56;
	v56 =	vshrl.u32 v3, $0x3;
	vm0 =	vmand vm0, vm1;
	v31 =	vld.idx.msk [tilespmem:v31+s4+$0x0], $0xffff;
	v4 =	vshrl.u32 v4, $0x3  }
0x99: {  	[tilespmem:$0x1FFD0] =	vst v53;
	v33 =	vld.idx.msk [tilespmem:v33+s4+$0x0], $0xffff;
	v59 =	vsel vm0, $0xFFFFFFFF, v0;
	v53 =	vshrl.u32 v60, $0x3;
	v60 =	vmulhi.u32 $0x4EC4EC4F, v30  }
0x9a: {  	v34 =	vld.idx.msk [tilespmem:v34+s4+$0x0], $0xffff;
	v47 =	vadd.s32 v59, v27;
	v27 =	vshrl.u32 v45, $0x3;
	v45 =	vshrl.u32 v61, $0x3  }
0x9b: {  	v35 =	vld.idx.msk [tilespmem:v35+s4+$0x0], $0xffff;
	v59 =	vmulhi.u32 $0x4EC4EC4F, v29;
	v61 =	vmul.u32 $0xFFFFFFE6, v28;
	v50 =	vmul.u32 $0xFFFFFFE6, v47  }
0x9c: {  	v36 =	vld.idx.msk [tilespmem:v36+s4+$0x0], $0xffff;
	v52 =	vmul.u32 $0xFFFFFFE6, v27;
	v47 =	vshll.u32 v47, $0x7;
	v60 =	vshrl.u32 v60, $0x3  }
0x9d: {  	v44 =	vld.idx.msk [tilespmem:v6+s14+$0x0], $0xffff;
	v27 =	vshll.u32 v27, $0x7;
	v59 =	vshrl.u32 v59, $0x3;
	v20 =	vadd.s32 v20, v61;
	[tilespmem:v14+s20+$0x0] =	vst.idx.msk $0xffff, v31  }
0x9e: {  	v32 =	vadd.s32 v32, v50;
	v50 =	vshrl.u32 v63, $0x3;
	v63 =	vmul.u32 $0xFFFFFFE6, v45;
	[tilespmem:v13+s20+$0x0] =	vst.idx.msk $0xffff, v33  }
0x9f: {  	v31 =	vmulhi.u32 $0x4EC4EC4F, v43;
	v13 =	vld.idx.msk [tilespmem:v41+s4+$0x0], $0xffff;
	v33 =	vmul.u32 $0xFFFFFFE6, v57;
	v41 =	vmul.u32 $0xFFFFFFE6, v56;
	[tilespmem:v12+s20+$0x0] =	vst.idx.msk $0xffff, v34  }
0xa0: {  	v34 =	vmul.u32 $0xFFFFFFE6, v53;
	[tilespmem:v11+s20+$0x0] =	vst.idx.msk $0xffff, v35;
	v35 =	vmul.u32 $0xFFFFFFE6, v60;
	v19 =	vadd.s32 v19, v52  }
0xa1: {  	[tilespmem:v10+s20+$0x0] =	vst.idx.msk $0xffff, v36;
	v52 =	vlaneseq.u32;
	v36 =	vmul.u32 $0xFFFFFFE6, v4;
	v56 =	vshll.u32 v56, $0x7  }
0xa2: {  	v1 =	vld.idx.msk [tilespmem:v54+s14+$0x0], $0xffff;
	v4 =	vshll.u32 v4, $0x7;
	v0 =	vand.u32 $0xFFFFFF80, v32;
	v32 =	vand.u32 $0x7F, v32  }
0xa3: {  	v37 =	vld.idx.msk [tilespmem:v37+s4+$0x0], $0xffff;
	v14 =	vmul.u32 $0xFFFFFFE6, v50;
	v47 =	vadd.s32 v47, v0;
	v0 =	vmulhi.u32 $0x4EC4EC4F, v38  }
0xa4: {  	v12 =	vld.idx.msk [tilespmem:v39+s4+$0x0], $0xffff;
	v39 =	vmul.u32 $0xFFFFFFE6, v59;
	v31 =	vshrl.u32 v31, $0x3;
	v21 =	vadd.s32 v21, v63  }
0xa5: {  	v11 =	vld.idx.msk [tilespmem:v44+s4+$0x0], $0xffff;
	v25 =	vadd.s32 v25, v34;
	v30 =	vadd.s32 v30, v35;
	v34 =	vadd.s32 v42, v36  }
0xa6: {  	v35 =	vld.idx.msk [tilespmem:v55+s4+$0x0], $0xffff;
	v36 =	vand.u32 $0xFFFFFF80, v19;
	v55 =	vshll.u32 v57, $0x7;
	v59 =	vshll.u32 v59, $0x7  }
0xa7: {  	v10 =	vld.idx.msk [tilespmem:v46+s4+$0x0], $0xffff;
	v32 =	vor.u32 v32, v47;
	v47 =	vshrl.u32 v62, $0x3;
	v62 =	vmulhi.u32 $0x4EC4EC4F, v40  }
0xa8: {  	[tilespmem:v9+s20+$0x0] =	vst.idx.msk $0xffff, v37;
	v46 =	vmul.u32 $0xFFFFFFE6, v31;
	v14 =	vadd.s32 v22, v14;
	v22 =	vadd.s32 v23, v33  }
0xa9: {  	v9 =	vld.idx.msk [tilespmem:v49+s4+$0x0], $0xffff;
	v23 =	vadd.s32 v26, v41;
	v27 =	vadd.s32 v27, v36;
	v3 =	vmul.u32 $0xFFFFFFE6, v47  }
0xaa: {  	v0 =	vshrl.u32 v0, $0x3;
	v29 =	vadd.s32 v29, v39;
	v39 =	vand.u32 $0xFFFFFF80, v20  }
0xab: {  	v42 =	vand.u32 $0xFFFFFF80, v23;
	v62 =	vshrl.u32 v62, $0x3;
	v5 =	vmul.u32 $0xFFFFFFE6, v0;
	[tilespmem:v8+s20+$0x0] =	vst.idx.msk $0xffff, v13  }
0xac: {  	v58 =	vld.idx.msk [tilespmem:v2+s14+$0x0], $0xffff;
	v37 =	vadd.s32 v43, v46;
	v8 =	vand.u32 $0xFFFFFF80, v14;
	v13 =	vand.u32 $0xFFFFFF80, v22;
	[tilespmem:v6+s20+$0x0] =	vst.idx.msk $0xffff, v11  }
0xad: {  	v43 =	vand.u32 $0xFFFFFF80, v30;
	v11 =	vand.u32 $0xFFFFFF80, v34;
	[tilespmem:v15+s20+$0x0] =	vst.idx.msk $0xffff, v10;
	v10 =	vshll.u32 v28, $0x7  }
0xae: {  	v28 =	vshll.u32 v45, $0x7;
	v45 =	vshll.u32 v47, $0x7;
	[tilespmem:v16+s20+$0x0] =	vst.idx.msk $0xffff, v9;
	v9 =	vshll.u32 v50, $0x7  }
0xaf: {  	v0 =	vshll.u32 v0, $0x7;
	v16 =	vshll.u32 v31, $0x7;
	v50 =	vshll.u32 v18, $0x7  }
0xb0: {  	v63 =	vld.idx.msk [tilespmem:v1+s4+$0x0], $0xffff;
	v18 =	vand.u32 $0x7F, v17;
	v44 =	vmul.u32 $0xFFFFFFE6, v62;
	v3 =	vadd.s32 v24, v3  }
0xb1: {  	v62 =	vshll.u32 v62, $0x7;
	v10 =	vadd.s32 v10, v39;
	v8 =	vadd.s32 v9, v8  }
0xb2: {  	v57 =	vld [tilespmem:$0x1FFD0];
	v9 =	vadd.s32 v55, v13;
	v4 =	vadd.s32 v4, v11;
	v11 =	vand.u32 $0x7F, v20  }
0xb3: {  	[tilespmem:$0x1FFF0] =	vst v2;
	v20 =	vand.u32 $0x7F, v14;
	v5 =	vadd.s32 v38, v5;
	v41 =	vand.u32 $0xFFFFFF80, v3;
	v2 =	vld.idx.msk [tilespmem:v32+s14+$0x0], $0xffff  }
0xb4: {  	v38 =	vld.idx.msk [tilespmem:v58+s4+$0x0], $0xffff;
	[tilespmem:v7+s20+$0x0] =	vst.idx.msk $0xffff, v12;
	v7 =	vand.u32 $0xFFFFFF80, v25;
	v12 =	vand.u32 $0xFFFFFF80, v29;
	v58 =	vshll.u32 v53, $0x7  }
0xb5: {  	[tilespmem:v54+s20+$0x0] =	vst.idx.msk $0xffff, v63;
	v54 =	vadd.s32 v56, v42;
	v3 =	vand.u32 $0x7F, v3;
	v13 =	vor.u32 v11, v10  }
0xb6: {  	v61 =	vld.idx.msk [tilespmem:v51+s4+$0x0], $0xffff;
	v10 =	vor.u32 v20, v8;
	v33 =	vadd.s32 v40, v44;
	v40 =	vand.u32 $0xFFFFFF80, v21  }
0xb7: {  	v63 =	vld [tilespmem:$0x1FFE0];
	v6 =	vand.u32 $0xFFFFFF80, v5;
	v44 =	vand.u32 $0xFFFFFF80, v17;
	v53 =	vadd.s32 v45, v41  }
0xb8: {  	v7 =	vadd.s32 v58, v7;
	v55 =	vadd.s32 v59, v12;
	v12 =	vand.u32 $0x7F, v21  }
0xb9: {  	v58 =	vand.u32 $0x7F, v23;
	v59 =	vand.u32 $0x7F, v25;
	v5 =	vand.u32 $0x7F, v5  }
0xba: {  	v51 =	vld [tilespmem:$0x1FFF0];
	v28 =	vadd.s32 v28, v40;
	v0 =	vadd.s32 v0, v6;
	v6 =	vand.u32 $0x7F, v19  }
0xbb: {  	v19 =	vadd.s32 v50, v44;
	v11 =	vor.u32 v3, v53;
	v8 =	vor.u32 v58, v54;
	v2 =	vld.idx.msk [tilespmem:v2+s4+$0x0], $0xffff  }
0xbc: {  	s26 =	sadd.s32 $0x10, s26;
	v7 =	vor.u32 v59, v7;
	[tilespmem:v57+s20+$0x0] =	vst.idx.msk $0xffff, v61;
	v61 =	vshll.u32 v60, $0x7;
	v57 =	vand.u32 $0x7F, v22  }
0xbd: {  	p0 =	slt.u32 s26, $0xC0;
	v60 =	vand.u32 $0x7F, v29;
	v14 =	vor.u32 v6, v27;
	v12 =	vor.u32 v12, v28  }
.Ltmp4:
0xbe: {  	v53 =	vor.u32 v5, v0;
	v56 =	vadd.s32 v61, v43;
	v61 =	vand.u32 $0x7F, v30;
	(pc) =	sbr.rel @p0 .LBB2_10-.Ltmp4, $4  }
0xbf: {  	v9 =	vor.u32 v57, v9;
	v6 =	vor.u32 v60, v55;
	[tilespmem:v63+s20+$0x0] =	vst.idx.msk $0xffff, v35;
	v63 =	vand.u32 $0x7F, v34  }
0xc0: {  	v56 =	vor.u32 v61, v56;
	v54 =	vor.u32 v63, v4;
	[tilespmem:v32+s20+$0x0] =	vst.idx.msk $0xffff, v2;
	v2 =	vand.u32 $0xFFFFFF80, v33  }
0xc1: {  	v32 =	vand.u32 $0xFFFFFF80, v37;
	v2 =	vadd.s32 v62, v2;
	v62 =	vand.u32 $0x7F, v33  }
0xc2: {  	s28 =	sadd.s32 $0x100, s28;
	[tilespmem:v51+s20+$0x0] =	vst.idx.msk $0xffff, v38;
	v15 =	vadd.s32 v16, v32;
	v16 =	vand.u32 $0x7F, v37;
	v55 =	vor.u32 v62, v2  }
0xc3: {  	_ =	sdelay $0x3  }
0xc4: {  	v0 =	vld.idx.msk [tilespmem:v14+s14+$0x0], $0xffff  }
0xc5: {  	v2 =	vld.idx.msk [tilespmem:v13+s14+$0x0], $0xffff  }
0xc6: {  	v3 =	vld.idx.msk [tilespmem:v12+s14+$0x0], $0xffff  }
0xc7: {  	v4 =	vld.idx.msk [tilespmem:v11+s14+$0x0], $0xffff;
	s0 =	simm.s32 $0xF0;
	v17 =	vor.u32 v16, v15  }
0xc8: {  	v5 =	vld.idx.msk [tilespmem:v10+s14+$0x0], $0xffff;
	v15 =	vor.u32 v18, v19;
	s3 =	simm.s32 $0x0;
	s26 =	simm.s32 $0x10;
	s29 =	simm.s32 $0x30;
	v1 =	vimm.s32 $0x0;
	v16 =	vor.u32 s0, v52  }
0xc9: {  	v20 =	vld.idx.msk [tilespmem:v9+s14+$0x0], $0xffff;
	s30 =	simm.s32 $0x40;
	s31 =	simm.s32 $0x50;
	v22 =	vor.u32 s3, v52;
	v23 =	vor.u32 s26, v52;
	v27 =	vor.u32 s29, v52  }
0xca: {  	v19 =	vld.idx.msk [tilespmem:v8+s14+$0x0], $0xffff;
	s28 =	simm.s32 $0x60;
	v29 =	vor.u32 s30, v52;
	v30 =	vor.u32 s31, v52;
	v18 =	vmulhi.u32 $0x4EC4EC4F, v16  }
0xcb: {  	v21 =	vld.idx.msk [tilespmem:v7+s14+$0x0], $0xffff;
	s26 =	simm.s32 $0x20;
	v31 =	vor.u32 s28, v52;
	s29 =	simm.s32 $0x80;
	v40 =	vmov s3;
	v25 =	vmulhi.u32 $0x4EC4EC4F, v22  }
0xcc: {  	v24 =	vld.idx.msk [tilespmem:v6+s14+$0x0], $0xffff;
	s28 =	simm.s32 $0x90;
	v26 =	vor.u32 s26, v52;
	v34 =	vor.u32 s29, v52;
	v46 =	vmulhi.u32 $0x4EC4EC4F, v23  }
0xcd: {  	v28 =	vld.idx.msk [tilespmem:v56+s14+$0x0], $0xffff;
	s30 =	simm.s32 $0xA0;
	v37 =	vor.u32 s28, v52;
	v49 =	vmulhi.u32 $0x4EC4EC4F, v27;
	v25 =	vshrl.u32 v25, $0x3  }
0xce: {  	v32 =	vld.idx.msk [tilespmem:v55+s14+$0x0], $0xffff;
	s31 =	simm.s32 $0xB0;
	v38 =	vor.u32 s30, v52;
	v51 =	vmulhi.u32 $0x4EC4EC4F, v29;
	v36 =	vmul.u32 $0xFFFFFFE6, v25  }
0xcf: {  	v41 =	vsub.s32 $0x0, v22;
	v42 =	vor.u32 s31, v52;
	v59 =	vmulhi.u32 $0x4EC4EC4F, v30;
	v0 =	vld.idx.msk [tilespmem:v0+s4+$0x0], $0xffff  }
0xd0: {  	s26 =	simm.s32 $0x70;
	s31 =	simm.s32 $0xE0;
	vm0 =	veq.s32 v40, v52;
	v61 =	vmulhi.u32 $0x4EC4EC4F, v31;
	vm1 =	vne.s32 v36, v41;
	v2 =	vld.idx.msk [tilespmem:v2+s4+$0x0], $0xffff  }
0xd1: {  	v33 =	vor.u32 s26, v52;
	v44 =	vor.u32 s31, v52;
	vm0 =	vmand vm0, vm1;
	v3 =	vld.idx.msk [tilespmem:v3+s4+$0x0], $0xffff  }
0xd2: {  	v58 =	vmulhi.u32 $0x4EC4EC4F, v26;
	v46 =	vshrl.u32 v46, $0x3;
	v4 =	vld.idx.msk [tilespmem:v4+s4+$0x0], $0xffff;
	v45 =	vsel vm0, $0xFFFFFFFF, v1  }
0xd3: {  	s29 =	simm.s32 $0xC0;
	v18 =	vshrl.u32 v18, $0x3;
	v50 =	vmul.u32 $0xFFFFFFE6, v46;
	v20 =	vld.idx.msk [tilespmem:v20+s4+$0x0], $0xffff;
	v25 =	vadd.s32 v45, v25  }
0xd4: {  	s30 =	simm.s32 $0xD0;
	v47 =	vmul.u32 $0xFFFFFFE6, v18;
	v36 =	vor.u32 s29, v52;
	v5 =	vld.idx.msk [tilespmem:v5+s4+$0x0], $0xffff;
	v48 =	vmul.u32 $0xFFFFFFE6, v25  }
0xd5: {  	v41 =	vor.u32 s30, v52;
	v23 =	vadd.s32 v23, v50;
	v62 =	vld.idx.msk [tilespmem:v19+s4+$0x0], $0xffff;
	v19 =	vshrl.u32 v61, $0x3;
	[tilespmem:v14+s20+$0x0] =	vst.idx.msk $0xffff, v0  }
0xd6: {  	v63 =	vld.idx.msk [tilespmem:v21+s4+$0x0], $0xffff;
	v45 =	vshrl.u32 v58, $0x3;
	v22 =	vadd.s32 v22, v48;
	v48 =	vshrl.u32 v49, $0x3;
	[tilespmem:v13+s20+$0x0] =	vst.idx.msk $0xffff, v2  }
0xd7: {  	v14 =	vshll.u32 v25, $0x7;
	[tilespmem:v11+s20+$0x0] =	vst.idx.msk $0xffff, v4;
	v11 =	vshrl.u32 v59, $0x3;
	v25 =	vmulhi.u32 $0x4EC4EC4F, v37  }
0xd8: {  	v35 =	vld.idx.msk [tilespmem:v53+s14+$0x0], $0xffff;
	[tilespmem:v9+s20+$0x0] =	vst.idx.msk $0xffff, v20;
	v20 =	vmul.u32 $0xFFFFFFE6, v45;
	v49 =	vmulhi.u32 $0x4EC4EC4F, v42;
	v45 =	vshll.u32 v45, $0x7  }
0xd9: {  	v39 =	vld.idx.msk [tilespmem:v54+s14+$0x0], $0xffff;
	[tilespmem:v12+s20+$0x0] =	vst.idx.msk $0xffff, v3;
	v60 =	vand.u32 $0xFFFFFF80, v22;
	v13 =	vand.u32 $0x7F, v22;
	v57 =	vmul.u32 $0xFFFFFFE6, v48  }
0xda: {  	v43 =	vld.idx.msk [tilespmem:v17+s14+$0x0], $0xffff;
	[tilespmem:v10+s20+$0x0] =	vst.idx.msk $0xffff, v5;
	v50 =	vshll.u32 v48, $0x7;
	v0 =	vadd.s32 v14, v60;
	v14 =	vmulhi.u32 $0x4EC4EC4F, v33  }
0xdb: {  	v4 =	vld.idx.msk [tilespmem:v24+s4+$0x0], $0xffff;
	[tilespmem:v7+s20+$0x0] =	vst.idx.msk $0xffff, v63;
	v21 =	vshrl.u32 v25, $0x3;
	v7 =	vshrl.u32 v49, $0x3;
	v60 =	vmulhi.u32 $0x4EC4EC4F, v41  }
0xdc: {  	v5 =	vld.idx.msk [tilespmem:v28+s4+$0x0], $0xffff;
	v20 =	vadd.s32 v26, v20;
	v25 =	vadd.s32 v16, v47;
	v12 =	vor.u32 v13, v0  }
0xdd: {  	v9 =	vld.idx.msk [tilespmem:v32+s4+$0x0], $0xffff;
	v0 =	vshrl.u32 v51, $0x3;
	v13 =	vmulhi.u32 $0x4EC4EC4F, v34;
	v63 =	vmul.u32 $0xFFFFFFE6, v21  }
0xde: {  	v40 =	vld.idx.msk [tilespmem:v15+s14+$0x0], $0xffff;
	v2 =	vadd.s32 v27, v57;
	v16 =	vand.u32 $0xFFFFFF80, v20;
	v21 =	vshll.u32 v21, $0x7  }
0xdf: {  	[tilespmem:v8+s20+$0x0] =	vst.idx.msk $0xffff, v62;
	v10 =	vshrl.u32 v14, $0x3;
	v14 =	vmulhi.u32 $0x4EC4EC4F, v38;
	v59 =	vmul.u32 $0xFFFFFFE6, v0  }
0xe0: {  	v22 =	vshrl.u32 v60, $0x3;
	v0 =	vshll.u32 v0, $0x7;
	v45 =	vadd.s32 v45, v16;
	[tilespmem:v6+s20+$0x0] =	vst.idx.msk $0xffff, v4  }
0xe1: {  	v51 =	vld.idx.msk [tilespmem:v35+s4+$0x0], $0xffff;
	v13 =	vshrl.u32 v13, $0x3;
	v4 =	vmul.u32 $0xFFFFFFE6, v11;
	[tilespmem:v56+s20+$0x0] =	vst.idx.msk $0xffff, v5;
	v5 =	vmul.u32 $0xFFFFFFE6, v19  }
0xe2: {  	v62 =	vmul.u32 $0xFFFFFFE6, v10;
	[tilespmem:v55+s20+$0x0] =	vst.idx.msk $0xffff, v9;
	v55 =	vmul.u32 $0xFFFFFFE6, v22;
	v28 =	vadd.s32 v37, v63  }
0xe3: {  	v56 =	vand.u32 $0xFFFFFF80, v2;
	v11 =	vshll.u32 v11, $0x7;
	v19 =	vshll.u32 v19, $0x7  }
0xe4: {  	v58 =	vld.idx.msk [tilespmem:v39+s4+$0x0], $0xffff;
	v10 =	vshll.u32 v10, $0x7;
	v22 =	vshll.u32 v22, $0x7;
	v2 =	vand.u32 $0x7F, v2  }
0xe5: {  	v61 =	vld.idx.msk [tilespmem:v43+s4+$0x0], $0xffff;
	v8 =	vshrl.u32 v14, $0x3;
	v14 =	vmulhi.u32 $0x4EC4EC4F, v36;
	v9 =	vmul.u32 $0xFFFFFFE6, v13  }
0xe6: {  	v3 =	vadd.s32 v29, v59;
	v37 =	vand.u32 $0xFFFFFF80, v28;
	v13 =	vshll.u32 v13, $0x7;
	[tilespmem:v53+s20+$0x0] =	vst.idx.msk $0xffff, v51;
	v53 =	vld.idx.msk [tilespmem:v40+s4+$0x0], $0xffff  }
0xe7: {  	v49 =	vmul.u32 $0xFFFFFFE6, v8;
	v4 =	vadd.s32 v30, v4;
	v5 =	vadd.s32 v31, v5  }
0xe8: {  	v27 =	vadd.s32 v33, v62;
	v26 =	vadd.s32 v41, v55;
	v57 =	vand.u32 $0xFFFFFF80, v3  }
0xe9: {  	[tilespmem:v54+s20+$0x0] =	vst.idx.msk $0xffff, v58;
	v62 =	vshll.u32 v46, $0x7;
	v8 =	vshll.u32 v8, $0x7;
	v31 =	vadd.s32 v50, v56  }
0xea: {  	[tilespmem:v17+s20+$0x0] =	vst.idx.msk $0xffff, v61;
	v21 =	vadd.s32 v21, v37;
	v3 =	vand.u32 $0x7F, v3;
	v6 =	vshrl.u32 v14, $0x3  }
0xeb: {  	v14 =	vmulhi.u32 $0x4EC4EC4F, v44;
	v51 =	vmul.u32 $0xFFFFFFE6, v7;
	v9 =	vadd.s32 v34, v9;
	[tilespmem:v15+s20+$0x0] =	vst.idx.msk $0xffff, v53  }
0xec: {  	v58 =	vand.u32 $0xFFFFFF80, v4;
	v59 =	vand.u32 $0xFFFFFF80, v5;
	v60 =	vand.u32 $0xFFFFFF80, v27;
	[hbm4b:s7+s4] =	stream.linear.scatter [tilespmem:s20], [sflag:$0x3], $0x4000, $0x38;
	[tilespmem:$0x10D00] =	vst v63  }
0xed: {  	v41 =	vand.u32 $0xFFFFFF80, v26;
	v7 =	vshll.u32 v7, $0x7;
	v0 =	vadd.s32 v0, v57  }
0xee: {  	v4 =	vand.u32 $0x7F, v4;
	v5 =	vand.u32 $0x7F, v5;
	v26 =	vand.u32 $0x7F, v26;
	[tilespmem:s14], [sflag:$0x1] =	stream.linear.gather [hbm4b:s8+s4], $0x4000, $0x38;
	[tilespmem:$0x10D00] =	vst v63  }
0xef: {  	v54 =	vmul.u32 $0xFFFFFFE6, v6;
	v24 =	vadd.s32 v38, v49;
	v61 =	vand.u32 $0xFFFFFF80, v9;
	_ =	swait.ge [sflag:s21], $0x4000  }
0xf0: {  	v49 =	vand.u32 $0xFFFFFF80, v25;
	v6 =	vshll.u32 v6, $0x7;
	v55 =	vadd.s32 v10, v60;
	[sflag:s21] =	ssyncset.done $0x0  }
0xf1: {  	v22 =	vadd.s32 v22, v41;
	v60 =	vand.u32 $0x7F, v9;
	v15 =	vand.u32 $0xFFFFFF80, v23;
	[sflag:s21] =	ssyncadd.s32 $0xFFFFC000  }
0xf2: {  	v14 =	vshrl.u32 v14, $0x3;
	v29 =	vadd.s32 v42, v51;
	v42 =	vadd.s32 v62, v15;
	v15 =	vld.idx.msk [tilespmem:v12+s15+$0x0], $0xffff  }
0xf3: {  	v38 =	vand.u32 $0xFFFFFF80, v24;
	v51 =	vshll.u32 v18, $0x7;
	v56 =	vadd.s32 v13, v61  }
0xf4: {  	v61 =	vand.u32 $0x7F, v28;
	v24 =	vand.u32 $0x7F, v24;
	v18 =	vand.u32 $0x7F, v25  }
0xf5: {  	v17 =	vmul.u32 $0xFFFFFFE6, v14;
	v30 =	vadd.s32 v36, v54;
	v39 =	vand.u32 $0xFFFFFF80, v29  }
0xf6: {  	v14 =	vshll.u32 v14, $0x7;
	v54 =	vadd.s32 v19, v59;
	v57 =	vadd.s32 v8, v38  }
0xf7: {  	v8 =	vand.u32 $0x7F, v20;
	v20 =	vand.u32 $0x7F, v27;
	v19 =	vadd.s32 v51, v49  }
0xf8: {  	v40 =	vand.u32 $0xFFFFFF80, v30;
	v13 =	vor.u32 v8, v45;
	v9 =	vor.u32 v5, v54  }
0xf9: {  	v8 =	vor.u32 v20, v55;
	v54 =	vor.u32 v24, v57;
	v17 =	vadd.s32 v44, v17  }
0xfa: {  	v53 =	vadd.s32 v11, v58;
	v58 =	vadd.s32 v7, v39;
	v59 =	vadd.s32 v6, v40;
	v6 =	vld.idx.msk [tilespmem:v15+s4+$0x0], $0xffff  }
0xfb: {  	v7 =	vand.u32 $0x7F, v23;
	v11 =	vor.u32 v3, v0;
	v63 =	vand.u32 $0xFFFFFF80, v17  }
0xfc: {  	v62 =	vand.u32 $0x7F, v29;
	v10 =	vor.u32 v4, v53;
	v53 =	vor.u32 v26, v22  }
0xfd: {  	v51 =	vor.u32 v62, v58;
	v15 =	vadd.s32 v14, v63;
	v63 =	vand.u32 $0x7F, v30  }
0xfe: {  	v14 =	vor.u32 v7, v42;
	v7 =	vor.u32 v60, v56;
	v50 =	vor.u32 v63, v59  }
0xff: {  	s28 =	simm.s32 $0x1F0;
	s26 =	simm.s32 $0x0;
	v16 =	vand.u32 $0x7F, v17;
	[tilespmem:v12+s22+$0x0] =	vst.idx.msk $0xffff, v6;
	v12 =	vor.u32 v2, v31;
	v6 =	vor.u32 v61, v21  }
.LBB2_12:
0x100: {  	s0 =	sadd.s32 $0xFFFFFF10, s28;
	v17 =	vor.u32 s28, v52;
	v3 =	vor.u32 v16, v15  }
0x101: {  	s3 =	sadd.s32 $0xFFFFFF20, s28;
	v2 =	vor.u32 v18, v19;
	v31 =	vor.u32 s0, v52;
	v18 =	vmulhi.u32 $0x4EC4EC4F, v17  }
0x102: {  	s30 =	sadd.s32 $0xFFFFFF30, s28;
	s29 =	sadd.s32 $0xFFFFFF40, s28;
	v1 =	vimm.s32 $0x0;
	v19 =	vor.u32 s3, v52;
	v25 =	vmulhi.u32 $0x4EC4EC4F, v31  }
0x103: {  	v0 =	vld.idx.msk [tilespmem:v14+s15+$0x0], $0xffff;
	s31 =	sadd.s32 $0xFFFFFF60, s28;
	v20 =	vor.u32 s30, v52;
	v21 =	vor.u32 s29, v52;
	v44 =	vmulhi.u32 $0x4EC4EC4F, v19  }
0x104: {  	v32 =	vld.idx.msk [tilespmem:v13+s15+$0x0], $0xffff;
	s3 =	sadd.s32 $0xFFFFFF50, s28;
	s30 =	sadd.s32 $0xFFFFFF70, s28;
	v22 =	vor.u32 s31, v52;
	v37 =	vmov s0;
	v59 =	vmulhi.u32 $0x4EC4EC4F, v20  }
0x105: {  	v33 =	vld.idx.msk [tilespmem:v12+s15+$0x0], $0xffff;
	s29 =	sadd.s32 $0xFFFFFFC0, s28;
	v24 =	vor.u32 s3, v52;
	v23 =	vor.u32 s30, v52;
	v60 =	vmulhi.u32 $0x4EC4EC4F, v21  }
0x106: {  	v34 =	vld.idx.msk [tilespmem:v11+s15+$0x0], $0xffff;
	s3 =	sadd.s32 $0xFFFFFF80, s28;
	v38 =	vsub.s32 $0x0, v31;
	v39 =	vor.u32 s29, v52;
	v62 =	vmulhi.u32 $0x4EC4EC4F, v22  }
0x107: {  	v35 =	vld.idx.msk [tilespmem:v10+s15+$0x0], $0xffff;
	s30 =	sadd.s32 $0xFFFFFFA0, s28;
	vm0 =	veq.s32 v37, v52;
	v26 =	vor.u32 s3, v52;
	v61 =	vmulhi.u32 $0x4EC4EC4F, v24  }
0x108: {  	v43 =	vld.idx.msk [tilespmem:v6+s15+$0x0], $0xffff;
	s31 =	sadd.s32 $0xFFFFFF90, s28;
	s3 =	sadd.s32 $0xFFFFFFB0, s28;
	v29 =	vor.u32 s30, v52;
	v18 =	vshrl.u32 v18, $0x3;
	v56 =	vmulhi.u32 $0x4EC4EC4F, v23  }
0x109: {  	v45 =	vld.idx.msk [tilespmem:v54+s15+$0x0], $0xffff;
	s30 =	sadd.s32 $0xFFFFFFF0, s28;
	v27 =	vshrl.u32 v25, $0x3;
	v25 =	vor.u32 s31, v52;
	v30 =	vor.u32 s3, v52  }
0x10a: {  	v48 =	vld.idx.msk [tilespmem:v51+s15+$0x0], $0xffff;
	s3 =	sadd.s32 $0xFFFFFFE0, s28;
	v42 =	vor.u32 s30, v52;
	v47 =	vmul.u32 $0xFFFFFFE6, v18;
	v63 =	vmulhi.u32 $0x4EC4EC4F, v26  }
0x10b: {  	v16 =	vmovc v54;
	[tilespmem:$0x1FFB0] =	vst v3;
	s31 =	sadd.s32 $0xFFFFFFD0, s28;
	v28 =	vmul.u32 $0xFFFFFFE6, v27;
	v41 =	vor.u32 s3, v52;
	v54 =	vld.idx.msk [tilespmem:v3+s15+$0x0], $0xffff;
	v3 =	vmulhi.u32 $0x4EC4EC4F, v25  }
0x10c: {  	v15 =	vmovc v6;
	v6 =	vld.idx.msk [tilespmem:v50+s15+$0x0], $0xffff;
	v37 =	vor.u32 s31, v52;
	v56 =	vshrl.u32 v56, $0x3;
	v4 =	vmulhi.u32 $0x4EC4EC4F, v41  }
0x10d: {  	vm1 =	vne.s32 v28, v38;
	v38 =	vld.idx.msk [tilespmem:v7+s15+$0x0], $0xffff;
	v28 =	vshrl.u32 v59, $0x3;
	v59 =	vmulhi.u32 $0x4EC4EC4F, v30  }
0x10e: {  	v17 =	vadd.s32 v17, v47;
	v52 =	vshrl.u32 v3, $0x3;
	vm0 =	vmand vm0, vm1;
	v32 =	vld.idx.msk [tilespmem:v32+s4+$0x0], $0xffff  }
0x10f: {  	v33 =	vld.idx.msk [tilespmem:v33+s4+$0x0], $0xffff;
	v4 =	vshrl.u32 v4, $0x3;
	v58 =	vsel vm0, $0xFFFFFFFF, v1;
	v59 =	vshrl.u32 v59, $0x3  }
0x110: {  	v34 =	vld.idx.msk [tilespmem:v34+s4+$0x0], $0xffff;
	v46 =	vadd.s32 v58, v27;
	v27 =	vshrl.u32 v44, $0x3;
	v44 =	vshrl.u32 v60, $0x3  }
0x111: {  	v35 =	vld.idx.msk [tilespmem:v35+s4+$0x0], $0xffff;
	v58 =	vmulhi.u32 $0x4EC4EC4F, v29;
	v60 =	vmul.u32 $0xFFFFFFE6, v28;
	v49 =	vmul.u32 $0xFFFFFFE6, v46  }
0x112: {  	[tilespmem:$0x1FFA0] =	vst v51;
	v0 =	vld.idx.msk [tilespmem:v0+s4+$0x0], $0xffff;
	v51 =	vmul.u32 $0xFFFFFFE6, v27;
	v46 =	vshll.u32 v46, $0x7;
	v27 =	vshll.u32 v27, $0x7  }
0x113: {  	v58 =	vshrl.u32 v58, $0x3;
	v20 =	vadd.s32 v20, v60;
	v31 =	vadd.s32 v31, v49;
	[tilespmem:v13+s22+$0x0] =	vst.idx.msk $0xffff, v32  }
0x114: {  	v40 =	vld.idx.msk [tilespmem:v8+s15+$0x0], $0xffff;
	v49 =	vshrl.u32 v62, $0x3;
	v62 =	vmul.u32 $0xFFFFFFE6, v44;
	v32 =	vmul.u32 $0xFFFFFFE6, v56;
	[tilespmem:v12+s22+$0x0] =	vst.idx.msk $0xffff, v33  }
0x115: {  	v33 =	vmul.u32 $0xFFFFFFE6, v52;
	[tilespmem:v11+s22+$0x0] =	vst.idx.msk $0xffff, v34;
	v34 =	vmul.u32 $0xFFFFFFE6, v59;
	v19 =	vadd.s32 v19, v51  }
0x116: {  	[tilespmem:v10+s22+$0x0] =	vst.idx.msk $0xffff, v35;
	v10 =	vld.idx.msk [tilespmem:v45+s4+$0x0], $0xffff;
	v35 =	vmul.u32 $0xFFFFFFE6, v4;
	v45 =	vshll.u32 v56, $0x7;
	v4 =	vshll.u32 v4, $0x7  }
0x117: {  	[tilespmem:v14+s22+$0x0] =	vst.idx.msk $0xffff, v0;
	v55 =	vand.u32 $0xFFFFFF80, v31;
	v31 =	vand.u32 $0x7F, v31;
	v0 =	vmul.u32 $0xFFFFFFE6, v49  }
0x118: {  	v46 =	vadd.s32 v46, v55;
	v55 =	vshrl.u32 v63, $0x3;
	v63 =	vmulhi.u32 $0x4EC4EC4F, v37  }
0x119: {  	v12 =	vld.idx.msk [tilespmem:v38+s4+$0x0], $0xffff;
	v38 =	vmul.u32 $0xFFFFFFE6, v58;
	v21 =	vadd.s32 v21, v62;
	v25 =	vadd.s32 v25, v33  }
0x11a: {  	v60 =	vld.idx.msk [tilespmem:v6+s4+$0x0], $0xffff;
	v30 =	vadd.s32 v30, v34;
	v33 =	vadd.s32 v41, v35;
	v35 =	vand.u32 $0xFFFFFF80, v19  }
0x11b: {  	v36 =	vld.idx.msk [tilespmem:v9+s15+$0x0], $0xffff;
	v58 =	vshll.u32 v58, $0x7;
	v31 =	vor.u32 v31, v46;
	v46 =	vshrl.u32 v61, $0x3  }
0x11c: {  	v13 =	vld.idx.msk [tilespmem:v40+s4+$0x0], $0xffff;
	v61 =	vmulhi.u32 $0x4EC4EC4F, v39;
	v40 =	vmul.u32 $0xFFFFFFE6, v55;
	v0 =	vadd.s32 v22, v0  }
0x11d: {  	v11 =	vld.idx.msk [tilespmem:v43+s4+$0x0], $0xffff;
	v22 =	vadd.s32 v23, v32;
	v56 =	vshll.u32 v55, $0x7;
	v27 =	vadd.s32 v27, v35  }
0x11e: {  	v3 =	vmul.u32 $0xFFFFFFE6, v46;
	v14 =	vshrl.u32 v63, $0x3;
	v63 =	vmulhi.u32 $0x4EC4EC4F, v42  }
0x11f: {  	v1 =	vld.idx.msk [tilespmem:v53+s15+$0x0], $0xffff;
	v29 =	vadd.s32 v29, v38;
	v38 =	vand.u32 $0xFFFFFF80, v20;
	[tilespmem:v50+s22+$0x0] =	vst.idx.msk $0xffff, v60;
	v60 =	vshll.u32 v59, $0x7  }
0x120: {  	v57 =	vld.idx.msk [tilespmem:v2+s15+$0x0], $0xffff;
	v50 =	vshll.u32 v18, $0x7;
	v59 =	vand.u32 $0x7F, v25;
	v18 =	vand.u32 $0x7F, v17  }
0x121: {  	v61 =	vshrl.u32 v61, $0x3;
	v5 =	vmul.u32 $0xFFFFFFE6, v14;
	v23 =	vadd.s32 v26, v40;
	[tilespmem:v8+s22+$0x0] =	vst.idx.msk $0xffff, v13  }
0x122: {  	v8 =	vand.u32 $0xFFFFFF80, v0;
	v13 =	vand.u32 $0xFFFFFF80, v22;
	[tilespmem:v15+s22+$0x0] =	vst.idx.msk $0xffff, v11;
	v11 =	vand.u32 $0xFFFFFF80, v33  }
0x123: {  	[tilespmem:v16+s22+$0x0] =	vst.idx.msk $0xffff, v10;
	v10 =	vshll.u32 v28, $0x7;
	v28 =	vshll.u32 v44, $0x7;
	v44 =	vshll.u32 v46, $0x7  }
0x124: {  	v36 =	vld.idx.msk [tilespmem:v36+s4+$0x0], $0xffff;
	v14 =	vshll.u32 v14, $0x7;
	v0 =	vand.u32 $0x7F, v0;
	v63 =	vshrl.u32 v63, $0x3  }
0x125: {  	v34 =	vld.idx.msk [tilespmem:v54+s4+$0x0], $0xffff;
	v43 =	vmul.u32 $0xFFFFFFE6, v61;
	v3 =	vadd.s32 v24, v3;
	v41 =	vand.u32 $0xFFFFFF80, v23  }
0x126: {  	v54 =	vld [tilespmem:$0x1FFA0];
	v10 =	vadd.s32 v10, v38;
	v4 =	vadd.s32 v4, v11;
	v11 =	vand.u32 $0x7F, v20  }
0x127: {  	v62 =	vld.idx.msk [tilespmem:v1+s4+$0x0], $0xffff;
	v20 =	vand.u32 $0x7F, v22;
	v51 =	vmul.u32 $0xFFFFFFE6, v63;
	v5 =	vadd.s32 v37, v5  }
0x128: {  	v37 =	vld.idx.msk [tilespmem:v57+s4+$0x0], $0xffff;
	v40 =	vand.u32 $0xFFFFFF80, v3;
	[tilespmem:v7+s22+$0x0] =	vst.idx.msk $0xffff, v12;
	v7 =	vand.u32 $0xFFFFFF80, v25;
	v12 =	vand.u32 $0xFFFFFF80, v29  }
0x129: {  	[tilespmem:$0x1FFC0] =	vst v2;
	v57 =	vshll.u32 v52, $0x7;
	v52 =	vlaneseq.u32;
	v16 =	vshll.u32 v63, $0x7;
	v2 =	vld.idx.msk [tilespmem:v31+s15+$0x0], $0xffff  }
0x12a: {  	v3 =	vand.u32 $0x7F, v3;
	v63 =	vand.u32 $0x7F, v33;
	v32 =	vadd.s32 v39, v43  }
0x12b: {  	[tilespmem:v9+s22+$0x0] =	vst.idx.msk $0xffff, v36;
	v9 =	vld.idx.msk [tilespmem:v48+s4+$0x0], $0xffff;
	v39 =	vand.u32 $0xFFFFFF80, v21;
	v6 =	vand.u32 $0xFFFFFF80, v5;
	v43 =	vand.u32 $0xFFFFFF80, v17  }
0x12c: {  	v7 =	vadd.s32 v57, v7;
	v55 =	vadd.s32 v58, v12;
	v12 =	vand.u32 $0x7F, v21  }
0x12d: {  	v58 =	vand.u32 $0x7F, v23;
	v5 =	vand.u32 $0x7F, v5;
	v36 =	vadd.s32 v42, v51  }
0x12e: {  	v42 =	vand.u32 $0xFFFFFF80, v30;
	[tilespmem:v53+s22+$0x0] =	vst.idx.msk $0xffff, v62;
	v62 =	vshll.u32 v61, $0x7;
	v28 =	vadd.s32 v28, v39  }
0x12f: {  	v51 =	vld [tilespmem:$0x1FFC0];
	v53 =	vadd.s32 v44, v40;
	v57 =	vadd.s32 v14, v6;
	v6 =	vand.u32 $0x7F, v19  }
0x130: {  	v61 =	vand.u32 $0x7F, v30;
	v19 =	vadd.s32 v50, v43;
	[tilespmem:v54+s22+$0x0] =	vst.idx.msk $0xffff, v9;
	v9 =	vshll.u32 v49, $0x7;
	v49 =	vld [tilespmem:$0x1FFB0]  }
0x131: {  	v7 =	vor.u32 v59, v7;
	v54 =	vadd.s32 v56, v41;
	v56 =	vadd.s32 v60, v42;
	v2 =	vld.idx.msk [tilespmem:v2+s4+$0x0], $0xffff  }
0x132: {  	s26 =	sadd.s32 $0x10, s26;
	v60 =	vand.u32 $0x7F, v29;
	v14 =	vor.u32 v6, v27;
	v12 =	vor.u32 v12, v28  }
0x133: {  	p0 =	slt.u32 s26, $0xC0;
	v50 =	vor.u32 v5, v57;
	v8 =	vadd.s32 v9, v8;
	v9 =	vadd.s32 v45, v13  }
.Ltmp5:
0x134: {  	v13 =	vor.u32 v11, v10;
	v11 =	vor.u32 v3, v53;
	v6 =	vor.u32 v60, v55;
	(pc) =	sbr.rel @p0 .LBB2_12-.Ltmp5, $4  }
0x135: {  	v53 =	vor.u32 v63, v4;
	v10 =	vor.u32 v0, v8;
	v9 =	vor.u32 v20, v9  }
0x136: {  	v8 =	vor.u32 v58, v54;
	v54 =	vor.u32 v61, v56;
	[tilespmem:v31+s22+$0x0] =	vst.idx.msk $0xffff, v2;
	v2 =	vand.u32 $0xFFFFFF80, v32  }
0x137: {  	[tilespmem:v51+s22+$0x0] =	vst.idx.msk $0xffff, v37;
	v31 =	vand.u32 $0xFFFFFF80, v36;
	v2 =	vadd.s32 v62, v2;
	v62 =	vand.u32 $0x7F, v32  }
0x138: {  	s28 =	sadd.s32 $0x100, s28;
	[tilespmem:v49+s22+$0x0] =	vst.idx.msk $0xffff, v34;
	v15 =	vadd.s32 v16, v31;
	v16 =	vand.u32 $0x7F, v36;
	v51 =	vor.u32 v62, v2  }
0x139: {  	_ =	sdelay $0x3  }
0x13a: {  	v0 =	vld.idx.msk [tilespmem:v14+s15+$0x0], $0xffff  }
0x13b: {  	v2 =	vld.idx.msk [tilespmem:v13+s15+$0x0], $0xffff  }
0x13c: {  	v3 =	vld.idx.msk [tilespmem:v12+s15+$0x0], $0xffff  }
0x13d: {  	v4 =	vld.idx.msk [tilespmem:v11+s15+$0x0], $0xffff  }
0x13e: {  	v5 =	vld.idx.msk [tilespmem:v10+s15+$0x0], $0xffff  }
0x13f: {  	v17 =	vld.idx.msk [tilespmem:v9+s15+$0x0], $0xffff  }
0x140: {  	v20 =	vld.idx.msk [tilespmem:v8+s15+$0x0], $0xffff;
	v22 =	vor.u32 v16, v15  }
0x141: {  	v21 =	vld.idx.msk [tilespmem:v7+s15+$0x0], $0xffff;
	s0 =	simm.s32 $0xF0;
	v18 =	vor.u32 v18, v19  }
0x142: {  	v19 =	vld.idx.msk [tilespmem:v6+s15+$0x0], $0xffff;
	s3 =	simm.s32 $0x0;
	s26 =	simm.s32 $0x10;
	s29 =	simm.s32 $0x30;
	v1 =	vimm.s32 $0x0;
	v15 =	vor.u32 s0, v52  }
0x143: {  	v23 =	vld.idx.msk [tilespmem:v54+s15+$0x0], $0xffff;
	s30 =	simm.s32 $0x40;
	s31 =	simm.s32 $0x50;
	v24 =	vor.u32 s3, v52;
	v25 =	vor.u32 s26, v52;
	v29 =	vor.u32 s29, v52  }
0x144: {  	v26 =	vld.idx.msk [tilespmem:v51+s15+$0x0], $0xffff;
	s28 =	simm.s32 $0x60;
	v31 =	vor.u32 s30, v52;
	v32 =	vor.u32 s31, v52;
	v16 =	vmulhi.u32 $0x4EC4EC4F, v15  }
0x145: {  	s26 =	simm.s32 $0x20;
	v33 =	vor.u32 s28, v52;
	s29 =	simm.s32 $0x80;
	v42 =	vmov s3;
	v27 =	vmulhi.u32 $0x4EC4EC4F, v24;
	v37 =	vld.idx.msk [tilespmem:v22+s15+$0x0], $0xffff  }
0x146: {  	s28 =	simm.s32 $0x90;
	v28 =	vor.u32 s26, v52;
	v36 =	vor.u32 s29, v52;
	v46 =	vmulhi.u32 $0x4EC4EC4F, v25;
	v41 =	vld.idx.msk [tilespmem:v18+s15+$0x0], $0xffff  }
0x147: {  	s30 =	simm.s32 $0xA0;
	v39 =	vor.u32 s28, v52;
	v49 =	vmulhi.u32 $0x4EC4EC4F, v29;
	v27 =	vshrl.u32 v27, $0x3;
	v0 =	vld.idx.msk [tilespmem:v0+s4+$0x0], $0xffff  }
0x148: {  	s31 =	simm.s32 $0xB0;
	v40 =	vor.u32 s30, v52;
	v62 =	vmulhi.u32 $0x4EC4EC4F, v31;
	v38 =	vmul.u32 $0xFFFFFFE6, v27;
	v2 =	vld.idx.msk [tilespmem:v2+s4+$0x0], $0xffff  }
0x149: {  	v43 =	vsub.s32 $0x0, v24;
	v44 =	vor.u32 s31, v52;
	v55 =	vmulhi.u32 $0x4EC4EC4F, v32;
	v3 =	vld.idx.msk [tilespmem:v3+s4+$0x0], $0xffff  }
0x14a: {  	s26 =	simm.s32 $0x70;
	vm0 =	veq.s32 v42, v52;
	v58 =	vmulhi.u32 $0x4EC4EC4F, v33;
	vm1 =	vne.s32 v38, v43;
	v4 =	vld.idx.msk [tilespmem:v4+s4+$0x0], $0xffff  }
0x14b: {  	s30 =	simm.s32 $0xD0;
	v35 =	vor.u32 s26, v52;
	v61 =	vmulhi.u32 $0x4EC4EC4F, v28;
	vm0 =	vmand vm0, vm1;
	v17 =	vld.idx.msk [tilespmem:v17+s4+$0x0], $0xffff  }
0x14c: {  	v42 =	vor.u32 s30, v52;
	v59 =	vmulhi.u32 $0x4EC4EC4F, v39;
	v63 =	vld.idx.msk [tilespmem:v20+s4+$0x0], $0xffff;
	v45 =	vsel vm0, $0xFFFFFFFF, v1;
	[tilespmem:v14+s22+$0x0] =	vst.idx.msk $0xffff, v0  }
0x14d: {  	s29 =	simm.s32 $0xC0;
	v16 =	vshrl.u32 v16, $0x3;
	v46 =	vshrl.u32 v46, $0x3;
	v56 =	vld.idx.msk [tilespmem:v21+s4+$0x0], $0xffff;
	v27 =	vadd.s32 v45, v27;
	[tilespmem:v13+s22+$0x0] =	vst.idx.msk $0xffff, v2  }
0x14e: {  	v30 =	vld.idx.msk [tilespmem:v50+s15+$0x0], $0xffff;
	s31 =	simm.s32 $0xE0;
	v47 =	vmul.u32 $0xFFFFFFE6, v16;
	v38 =	vor.u32 s29, v52;
	v48 =	vmul.u32 $0xFFFFFFE6, v27;
	[tilespmem:v12+s22+$0x0] =	vst.idx.msk $0xffff, v3  }
0x14f: {  	v43 =	vor.u32 s31, v52;
	v5 =	vld.idx.msk [tilespmem:v5+s4+$0x0], $0xffff;
	v20 =	vshrl.u32 v49, $0x3;
	v57 =	vshll.u32 v27, $0x7;
	[tilespmem:v11+s22+$0x0] =	vst.idx.msk $0xffff, v4  }
0x150: {  	v0 =	vmul.u32 $0xFFFFFFE6, v46;
	v14 =	vshrl.u32 v61, $0x3;
	v13 =	vadd.s32 v24, v48;
	v4 =	vld.idx.msk [tilespmem:v19+s4+$0x0], $0xffff;
	[tilespmem:v9+s22+$0x0] =	vst.idx.msk $0xffff, v17  }
0x151: {  	v17 =	vshrl.u32 v55, $0x3;
	v19 =	vshrl.u32 v58, $0x3;
	[tilespmem:v8+s22+$0x0] =	vst.idx.msk $0xffff, v63;
	v63 =	vld.idx.msk [tilespmem:v37+s4+$0x0], $0xffff;
	v37 =	vmulhi.u32 $0x4EC4EC4F, v42  }
0x152: {  	[tilespmem:v7+s22+$0x0] =	vst.idx.msk $0xffff, v56;
	v7 =	vshrl.u32 v59, $0x3;
	v1 =	vld.idx.msk [tilespmem:v41+s4+$0x0], $0xffff;
	v41 =	vmulhi.u32 $0x4EC4EC4F, v43;
	v12 =	vand.u32 $0xFFFFFF80, v13  }
0x153: {  	v11 =	vand.u32 $0x7F, v13;
	v13 =	vmulhi.u32 $0x4EC4EC4F, v35;
	v61 =	vmul.u32 $0xFFFFFFE6, v14  }
0x154: {  	v34 =	vld.idx.msk [tilespmem:v53+s15+$0x0], $0xffff;
	v45 =	vmul.u32 $0xFFFFFFE6, v19;
	v49 =	vmul.u32 $0xFFFFFFE6, v7;
	v14 =	vshll.u32 v14, $0x7  }
0x155: {  	v19 =	vshll.u32 v19, $0x7;
	v7 =	vshll.u32 v7, $0x7;
	v12 =	vadd.s32 v57, v12  }
0x156: {  	v60 =	vld.idx.msk [tilespmem:v30+s4+$0x0], $0xffff;
	v27 =	vshrl.u32 v37, $0x3;
	v30 =	vshrl.u32 v41, $0x3;
	v0 =	vadd.s32 v25, v0  }
0x157: {  	[tilespmem:v10+s22+$0x0] =	vst.idx.msk $0xffff, v5;
	v5 =	vld.idx.msk [tilespmem:v23+s4+$0x0], $0xffff;
	v10 =	vor.u32 v11, v12;
	v11 =	vshrl.u32 v62, $0x3;
	v12 =	vmulhi.u32 $0x4EC4EC4F, v36  }
0x158: {  	v9 =	vld.idx.msk [tilespmem:v26+s4+$0x0], $0xffff;
	v2 =	vshrl.u32 v13, $0x3;
	v62 =	vmulhi.u32 $0x4EC4EC4F, v44;
	v3 =	vadd.s32 v28, v61  }
0x159: {  	v23 =	vadd.s32 v33, v45;
	v28 =	vadd.s32 v39, v49;
	v55 =	vand.u32 $0xFFFFFF80, v0  }
0x15a: {  	v0 =	vand.u32 $0x7F, v0;
	v48 =	vmul.u32 $0xFFFFFFE6, v2;
	v57 =	vand.u32 $0xFFFFFF80, v23  }
0x15b: {  	v39 =	vand.u32 $0xFFFFFF80, v28;
	v2 =	vshll.u32 v2, $0x7;
	v28 =	vand.u32 $0x7F, v28;
	[tilespmem:v6+s22+$0x0] =	vst.idx.msk $0xffff, v4  }
0x15c: {  	v13 =	vld.idx.msk [tilespmem:v34+s4+$0x0], $0xffff;
	v8 =	vshrl.u32 v12, $0x3;
	v12 =	vmulhi.u32 $0x4EC4EC4F, v40;
	v4 =	vmul.u32 $0xFFFFFFE6, v20;
	[tilespmem:v54+s22+$0x0] =	vst.idx.msk $0xffff, v5  }
0x15d: {  	v5 =	vmul.u32 $0xFFFFFFE6, v11;
	v21 =	vshrl.u32 v62, $0x3;
	[tilespmem:v51+s22+$0x0] =	vst.idx.msk $0xffff, v9;
	v9 =	vmul.u32 $0xFFFFFFE6, v17  }
0x15e: {  	[tilespmem:v18+s22+$0x0] =	vst.idx.msk $0xffff, v1;
	v18 =	vmul.u32 $0xFFFFFFE6, v27;
	v54 =	vmul.u32 $0xFFFFFFE6, v30;
	v62 =	vshll.u32 v46, $0x7  }
0x15f: {  	[tilespmem:v50+s22+$0x0] =	vst.idx.msk $0xffff, v60;
	v20 =	vshll.u32 v20, $0x7;
	v11 =	vshll.u32 v11, $0x7;
	v17 =	vshll.u32 v17, $0x7  }
0x160: {  	[tilespmem:v22+s22+$0x0] =	vst.idx.msk $0xffff, v63;
	v27 =	vshll.u32 v27, $0x7;
	v30 =	vshll.u32 v30, $0x7;
	v51 =	vmul.u32 $0xFFFFFFE6, v21  }
0x161: {  	v26 =	vadd.s32 v35, v48;
	v21 =	vshll.u32 v21, $0x7;
	v6 =	vshrl.u32 v12, $0x3;
	[tilespmem:v53+s22+$0x0] =	vst.idx.msk $0xffff, v13  }
0x162: {  	v12 =	vmulhi.u32 $0x4EC4EC4F, v38;
	v4 =	vadd.s32 v29, v4;
	v5 =	vadd.s32 v31, v5;
	[hbm4b:s9+s4] =	stream.linear.scatter [tilespmem:s22], [sflag:$0x4], $0x4000, $0x38;
	[tilespmem:$0x10D00] =	vst v63  }
0x163: {  	v9 =	vadd.s32 v32, v9;
	v18 =	vadd.s32 v42, v18;
	v25 =	vadd.s32 v43, v54  }
0x164: {  	v32 =	vadd.s32 v15, v47;
	v15 =	vand.u32 $0xFFFFFF80, v3;
	v58 =	vand.u32 $0xFFFFFF80, v26;
	[tilespmem:s15], [sflag:$0x2] =	stream.linear.gather [hbm4b:s10+s4], $0x4000, $0x38;
	[tilespmem:$0x10D00] =	vst v63  }
0x165: {  	v31 =	vadd.s32 v62, v55;
	v54 =	vshll.u32 v16, $0x7;
	v3 =	vand.u32 $0x7F, v3;
	_ =	swait.ge [sflag:s19], $0x4000  }
0x166: {  	v13 =	vmul.u32 $0xFFFFFFE6, v8;
	v50 =	vmul.u32 $0xFFFFFFE6, v6;
	v24 =	vadd.s32 v44, v51;
	[sflag:s19] =	ssyncset.done $0x0  }
0x167: {  	v33 =	vand.u32 $0xFFFFFF80, v4;
	v34 =	vand.u32 $0xFFFFFF80, v5;
	v56 =	vand.u32 $0xFFFFFF80, v9;
	[sflag:s19] =	ssyncadd.s32 $0xFFFFC000  }
0x168: {  	v61 =	vand.u32 $0xFFFFFF80, v18;
	v63 =	vand.u32 $0xFFFFFF80, v25;
	v12 =	vshrl.u32 v12, $0x3;
	_ =	swait.ge [sflag:s23], $0x4000  }
0x169: {  	v46 =	vand.u32 $0xFFFFFF80, v32;
	v8 =	vshll.u32 v8, $0x7;
	v53 =	vmul.u32 $0xFFFFFFE6, v12;
	[sflag:s23] =	ssyncset.done $0x0  }
0x16a: {  	v6 =	vshll.u32 v6, $0x7;
	v55 =	vadd.s32 v14, v15;
	v2 =	vadd.s32 v2, v58;
	[sflag:s23] =	ssyncadd.s32 $0xFFFFC000  }
0x16b: {  	v58 =	vadd.s32 v7, v39;
	v4 =	vand.u32 $0x7F, v4;
	v29 =	vadd.s32 v38, v53;
	v53 =	vld.idx.msk [tilespmem:v10+s14+$0x0], $0xffff  }
0x16c: {  	v5 =	vand.u32 $0x7F, v5;
	v7 =	vand.u32 $0x7F, v9;
	v16 =	vand.u32 $0x7F, v25  }
0x16d: {  	v14 =	vor.u32 v0, v31;
	v41 =	vand.u32 $0xFFFFFF80, v24;
	v20 =	vadd.s32 v20, v33  }
0x16e: {  	v11 =	vadd.s32 v11, v34;
	v17 =	vadd.s32 v17, v56;
	v56 =	vadd.s32 v19, v57  }
0x16f: {  	v27 =	vadd.s32 v27, v61;
	v15 =	vadd.s32 v30, v63;
	v61 =	vand.u32 $0x7F, v26  }
0x170: {  	v24 =	vand.u32 $0x7F, v24;
	v63 =	vand.u32 $0x7F, v18;
	v19 =	vadd.s32 v54, v46  }
0x171: {  	v13 =	vadd.s32 v36, v13;
	v22 =	vadd.s32 v40, v50;
	v12 =	vshll.u32 v12, $0x7  }
0x172: {  	v21 =	vadd.s32 v21, v41;
	v59 =	vand.u32 $0xFFFFFF80, v13;
	v40 =	vand.u32 $0xFFFFFF80, v22  }
0x173: {  	v11 =	vor.u32 v5, v11;
	v57 =	vadd.s32 v8, v59;
	v59 =	vadd.s32 v6, v40;
	v6 =	vld.idx.msk [tilespmem:v53+s4+$0x0], $0xffff  }
0x174: {  	v62 =	vand.u32 $0x7F, v13;
	v22 =	vand.u32 $0x7F, v22;
	v13 =	vor.u32 v3, v55  }
0x175: {  	v51 =	vor.u32 v24, v21;
	v8 =	vand.u32 $0x7F, v23;
	v60 =	vand.u32 $0xFFFFFF80, v29  }
0x176: {  	v29 =	vand.u32 $0x7F, v29;
	v9 =	vor.u32 v8, v56;
	v8 =	vor.u32 v61, v2  }
0x177: {  	v54 =	vor.u32 v22, v59;
	v60 =	vadd.s32 v12, v60;
	v12 =	vor.u32 v4, v20  }
0x178: {  	v18 =	vand.u32 $0x7F, v32;
	v50 =	vor.u32 v29, v60;
	v53 =	vor.u32 v63, v27;
	[tilespmem:v10+s20+$0x0] =	vst.idx.msk $0xffff, v6  }
0x179: {  	s28 =	simm.s32 $0x1F0;
	s26 =	simm.s32 $0x0;
	v10 =	vor.u32 v7, v17;
	v7 =	vor.u32 v62, v57;
	v6 =	vor.u32 v28, v58  }
.LBB2_14:
0x17a: {  	s0 =	sadd.s32 $0xFFFFFF10, s28;
	v17 =	vor.u32 s28, v52;
	v3 =	vor.u32 v16, v15  }
0x17b: {  	s3 =	sadd.s32 $0xFFFFFF20, s28;
	v2 =	vor.u32 v18, v19;
	v31 =	vor.u32 s0, v52;
	v18 =	vmulhi.u32 $0x4EC4EC4F, v17  }
0x17c: {  	s30 =	sadd.s32 $0xFFFFFF30, s28;
	s29 =	sadd.s32 $0xFFFFFF40, s28;
	v1 =	vimm.s32 $0x0;
	v19 =	vor.u32 s3, v52;
	v25 =	vmulhi.u32 $0x4EC4EC4F, v31  }
0x17d: {  	v0 =	vld.idx.msk [tilespmem:v14+s14+$0x0], $0xffff;
	s31 =	sadd.s32 $0xFFFFFF60, s28;
	v20 =	vor.u32 s30, v52;
	v21 =	vor.u32 s29, v52;
	v44 =	vmulhi.u32 $0x4EC4EC4F, v19  }
0x17e: {  	v32 =	vld.idx.msk [tilespmem:v13+s14+$0x0], $0xffff;
	s3 =	sadd.s32 $0xFFFFFF50, s28;
	s30 =	sadd.s32 $0xFFFFFF70, s28;
	v22 =	vor.u32 s31, v52;
	v37 =	vmov s0;
	v59 =	vmulhi.u32 $0x4EC4EC4F, v20  }
0x17f: {  	v33 =	vld.idx.msk [tilespmem:v12+s14+$0x0], $0xffff;
	s29 =	sadd.s32 $0xFFFFFFC0, s28;
	v24 =	vor.u32 s3, v52;
	v23 =	vor.u32 s30, v52;
	v60 =	vmulhi.u32 $0x4EC4EC4F, v21  }
0x180: {  	v34 =	vld.idx.msk [tilespmem:v11+s14+$0x0], $0xffff;
	s3 =	sadd.s32 $0xFFFFFF80, s28;
	v38 =	vsub.s32 $0x0, v31;
	v39 =	vor.u32 s29, v52;
	v62 =	vmulhi.u32 $0x4EC4EC4F, v22  }
0x181: {  	v35 =	vld.idx.msk [tilespmem:v10+s14+$0x0], $0xffff;
	s30 =	sadd.s32 $0xFFFFFFA0, s28;
	vm0 =	veq.s32 v37, v52;
	v26 =	vor.u32 s3, v52;
	v61 =	vmulhi.u32 $0x4EC4EC4F, v24  }
0x182: {  	v43 =	vld.idx.msk [tilespmem:v6+s14+$0x0], $0xffff;
	s31 =	sadd.s32 $0xFFFFFF90, s28;
	s3 =	sadd.s32 $0xFFFFFFB0, s28;
	v29 =	vor.u32 s30, v52;
	v18 =	vshrl.u32 v18, $0x3;
	v56 =	vmulhi.u32 $0x4EC4EC4F, v23  }
0x183: {  	v45 =	vld.idx.msk [tilespmem:v54+s14+$0x0], $0xffff;
	s30 =	sadd.s32 $0xFFFFFFF0, s28;
	v27 =	vshrl.u32 v25, $0x3;
	v25 =	vor.u32 s31, v52;
	v30 =	vor.u32 s3, v52  }
0x184: {  	v48 =	vld.idx.msk [tilespmem:v51+s14+$0x0], $0xffff;
	s3 =	sadd.s32 $0xFFFFFFE0, s28;
	v42 =	vor.u32 s30, v52;
	v47 =	vmul.u32 $0xFFFFFFE6, v18;
	v63 =	vmulhi.u32 $0x4EC4EC4F, v26  }
0x185: {  	v16 =	vmovc v54;
	[tilespmem:$0x1FF80] =	vst v3;
	s31 =	sadd.s32 $0xFFFFFFD0, s28;
	v28 =	vmul.u32 $0xFFFFFFE6, v27;
	v41 =	vor.u32 s3, v52;
	v54 =	vld.idx.msk [tilespmem:v3+s14+$0x0], $0xffff;
	v3 =	vmulhi.u32 $0x4EC4EC4F, v25  }
0x186: {  	v15 =	vmovc v6;
	v6 =	vld.idx.msk [tilespmem:v50+s14+$0x0], $0xffff;
	v37 =	vor.u32 s31, v52;
	v56 =	vshrl.u32 v56, $0x3;
	v4 =	vmulhi.u32 $0x4EC4EC4F, v41  }
0x187: {  	vm1 =	vne.s32 v28, v38;
	v38 =	vld.idx.msk [tilespmem:v7+s14+$0x0], $0xffff;
	v28 =	vshrl.u32 v59, $0x3;
	v59 =	vmulhi.u32 $0x4EC4EC4F, v30  }
0x188: {  	v17 =	vadd.s32 v17, v47;
	v52 =	vshrl.u32 v3, $0x3;
	vm0 =	vmand vm0, vm1;
	v32 =	vld.idx.msk [tilespmem:v32+s4+$0x0], $0xffff  }
0x189: {  	v33 =	vld.idx.msk [tilespmem:v33+s4+$0x0], $0xffff;
	v4 =	vshrl.u32 v4, $0x3;
	v58 =	vsel vm0, $0xFFFFFFFF, v1;
	v59 =	vshrl.u32 v59, $0x3  }
0x18a: {  	v34 =	vld.idx.msk [tilespmem:v34+s4+$0x0], $0xffff;
	v46 =	vadd.s32 v58, v27;
	v27 =	vshrl.u32 v44, $0x3;
	v44 =	vshrl.u32 v60, $0x3  }
0x18b: {  	v35 =	vld.idx.msk [tilespmem:v35+s4+$0x0], $0xffff;
	v58 =	vmulhi.u32 $0x4EC4EC4F, v29;
	v60 =	vmul.u32 $0xFFFFFFE6, v28;
	v49 =	vmul.u32 $0xFFFFFFE6, v46  }
0x18c: {  	[tilespmem:$0x1FF70] =	vst v51;
	v0 =	vld.idx.msk [tilespmem:v0+s4+$0x0], $0xffff;
	v51 =	vmul.u32 $0xFFFFFFE6, v27;
	v46 =	vshll.u32 v46, $0x7;
	v27 =	vshll.u32 v27, $0x7  }
0x18d: {  	v58 =	vshrl.u32 v58, $0x3;
	v20 =	vadd.s32 v20, v60;
	v31 =	vadd.s32 v31, v49;
	[tilespmem:v13+s20+$0x0] =	vst.idx.msk $0xffff, v32  }
0x18e: {  	v40 =	vld.idx.msk [tilespmem:v8+s14+$0x0], $0xffff;
	v49 =	vshrl.u32 v62, $0x3;
	v62 =	vmul.u32 $0xFFFFFFE6, v44;
	v32 =	vmul.u32 $0xFFFFFFE6, v56;
	[tilespmem:v12+s20+$0x0] =	vst.idx.msk $0xffff, v33  }
0x18f: {  	v33 =	vmul.u32 $0xFFFFFFE6, v52;
	[tilespmem:v11+s20+$0x0] =	vst.idx.msk $0xffff, v34;
	v34 =	vmul.u32 $0xFFFFFFE6, v59;
	v19 =	vadd.s32 v19, v51  }
0x190: {  	[tilespmem:v10+s20+$0x0] =	vst.idx.msk $0xffff, v35;
	v10 =	vld.idx.msk [tilespmem:v45+s4+$0x0], $0xffff;
	v35 =	vmul.u32 $0xFFFFFFE6, v4;
	v45 =	vshll.u32 v56, $0x7;
	v4 =	vshll.u32 v4, $0x7  }
0x191: {  	[tilespmem:v14+s20+$0x0] =	vst.idx.msk $0xffff, v0;
	v55 =	vand.u32 $0xFFFFFF80, v31;
	v31 =	vand.u32 $0x7F, v31;
	v0 =	vmul.u32 $0xFFFFFFE6, v49  }
0x192: {  	v46 =	vadd.s32 v46, v55;
	v55 =	vshrl.u32 v63, $0x3;
	v63 =	vmulhi.u32 $0x4EC4EC4F, v37  }
0x193: {  	v12 =	vld.idx.msk [tilespmem:v38+s4+$0x0], $0xffff;
	v38 =	vmul.u32 $0xFFFFFFE6, v58;
	v21 =	vadd.s32 v21, v62;
	v25 =	vadd.s32 v25, v33  }
0x194: {  	v60 =	vld.idx.msk [tilespmem:v6+s4+$0x0], $0xffff;
	v30 =	vadd.s32 v30, v34;
	v33 =	vadd.s32 v41, v35;
	v35 =	vand.u32 $0xFFFFFF80, v19  }
0x195: {  	v36 =	vld.idx.msk [tilespmem:v9+s14+$0x0], $0xffff;
	v58 =	vshll.u32 v58, $0x7;
	v31 =	vor.u32 v31, v46;
	v46 =	vshrl.u32 v61, $0x3  }
0x196: {  	v13 =	vld.idx.msk [tilespmem:v40+s4+$0x0], $0xffff;
	v61 =	vmulhi.u32 $0x4EC4EC4F, v39;
	v40 =	vmul.u32 $0xFFFFFFE6, v55;
	v0 =	vadd.s32 v22, v0  }
0x197: {  	v11 =	vld.idx.msk [tilespmem:v43+s4+$0x0], $0xffff;
	v22 =	vadd.s32 v23, v32;
	v56 =	vshll.u32 v55, $0x7;
	v27 =	vadd.s32 v27, v35  }
0x198: {  	v3 =	vmul.u32 $0xFFFFFFE6, v46;
	v14 =	vshrl.u32 v63, $0x3;
	v63 =	vmulhi.u32 $0x4EC4EC4F, v42  }
0x199: {  	v29 =	vadd.s32 v29, v38;
	v38 =	vand.u32 $0xFFFFFF80, v20;
	[tilespmem:v50+s20+$0x0] =	vst.idx.msk $0xffff, v60;
	v60 =	vshll.u32 v59, $0x7  }
0x19a: {  	v57 =	vld.idx.msk [tilespmem:v2+s14+$0x0], $0xffff;
	v50 =	vshll.u32 v18, $0x7;
	v59 =	vand.u32 $0x7F, v25;
	v18 =	vand.u32 $0x7F, v17  }
0x19b: {  	v61 =	vshrl.u32 v61, $0x3;
	v5 =	vmul.u32 $0xFFFFFFE6, v14;
	v23 =	vadd.s32 v26, v40;
	[tilespmem:v8+s20+$0x0] =	vst.idx.msk $0xffff, v13  }
0x19c: {  	v1 =	vmovc v53;
	v53 =	vld.idx.msk [tilespmem:v53+s14+$0x0], $0xffff;
	v8 =	vand.u32 $0xFFFFFF80, v0;
	v13 =	vand.u32 $0xFFFFFF80, v22;
	[tilespmem:v15+s20+$0x0] =	vst.idx.msk $0xffff, v11;
	v11 =	vand.u32 $0xFFFFFF80, v33  }
0x19d: {  	[tilespmem:v16+s20+$0x0] =	vst.idx.msk $0xffff, v10;
	v10 =	vshll.u32 v28, $0x7;
	v28 =	vshll.u32 v44, $0x7;
	v44 =	vshll.u32 v46, $0x7  }
0x19e: {  	v14 =	vshll.u32 v14, $0x7;
	v0 =	vand.u32 $0x7F, v0;
	v63 =	vshrl.u32 v63, $0x3  }
0x19f: {  	v36 =	vld.idx.msk [tilespmem:v36+s4+$0x0], $0xffff;
	v43 =	vmul.u32 $0xFFFFFFE6, v61;
	v3 =	vadd.s32 v24, v3;
	v41 =	vand.u32 $0xFFFFFF80, v23  }
0x1a0: {  	v34 =	vld.idx.msk [tilespmem:v54+s4+$0x0], $0xffff;
	v10 =	vadd.s32 v10, v38;
	v4 =	vadd.s32 v4, v11;
	v11 =	vand.u32 $0x7F, v20  }
0x1a1: {  	v15 =	vld [tilespmem:$0x1FF70];
	v20 =	vand.u32 $0x7F, v22;
	v51 =	vmul.u32 $0xFFFFFFE6, v63;
	v5 =	vadd.s32 v37, v5  }
0x1a2: {  	v37 =	vld.idx.msk [tilespmem:v57+s4+$0x0], $0xffff;
	v40 =	vand.u32 $0xFFFFFF80, v3;
	[tilespmem:v7+s20+$0x0] =	vst.idx.msk $0xffff, v12;
	v7 =	vand.u32 $0xFFFFFF80, v25;
	v12 =	vand.u32 $0xFFFFFF80, v29  }
0x1a3: {  	[tilespmem:$0x1FF90] =	vst v2;
	v57 =	vshll.u32 v52, $0x7;
	v52 =	vlaneseq.u32;
	v16 =	vshll.u32 v63, $0x7;
	v2 =	vld.idx.msk [tilespmem:v31+s14+$0x0], $0xffff  }
0x1a4: {  	v62 =	vld.idx.msk [tilespmem:v53+s4+$0x0], $0xffff;
	v54 =	vadd.s32 v56, v41;
	v3 =	vand.u32 $0x7F, v3;
	v63 =	vand.u32 $0x7F, v33  }
0x1a5: {  	[tilespmem:v9+s20+$0x0] =	vst.idx.msk $0xffff, v36;
	v9 =	vld.idx.msk [tilespmem:v48+s4+$0x0], $0xffff;
	v32 =	vadd.s32 v39, v43;
	v39 =	vand.u32 $0xFFFFFF80, v21;
	v6 =	vand.u32 $0xFFFFFF80, v5  }
0x1a6: {  	v43 =	vand.u32 $0xFFFFFF80, v17;
	v53 =	vadd.s32 v44, v40;
	v7 =	vadd.s32 v57, v7  }
0x1a7: {  	v55 =	vadd.s32 v58, v12;
	v12 =	vand.u32 $0x7F, v21;
	v58 =	vand.u32 $0x7F, v23  }
0x1a8: {  	v5 =	vand.u32 $0x7F, v5;
	v36 =	vadd.s32 v42, v51;
	v42 =	vand.u32 $0xFFFFFF80, v30  }
0x1a9: {  	[tilespmem:v1+s20+$0x0] =	vst.idx.msk $0xffff, v62;
	v62 =	vshll.u32 v61, $0x7;
	v51 =	vld [tilespmem:$0x1FF90];
	v28 =	vadd.s32 v28, v39;
	v57 =	vadd.s32 v14, v6  }
0x1aa: {  	v6 =	vand.u32 $0x7F, v19;
	v61 =	vand.u32 $0x7F, v30;
	[tilespmem:v15+s20+$0x0] =	vst.idx.msk $0xffff, v9;
	v9 =	vshll.u32 v49, $0x7;
	v49 =	vld [tilespmem:$0x1FF80]  }
0x1ab: {  	v19 =	vadd.s32 v50, v43;
	v7 =	vor.u32 v59, v7;
	v56 =	vadd.s32 v60, v42;
	v2 =	vld.idx.msk [tilespmem:v2+s4+$0x0], $0xffff  }
0x1ac: {  	s26 =	sadd.s32 $0x10, s26;
	v60 =	vand.u32 $0x7F, v29;
	v14 =	vor.u32 v6, v27;
	v12 =	vor.u32 v12, v28  }
0x1ad: {  	p0 =	slt.u32 s26, $0xC0;
	v50 =	vor.u32 v5, v57;
	v6 =	vor.u32 v60, v55;
	v8 =	vadd.s32 v9, v8  }
.Ltmp6:
0x1ae: {  	v9 =	vadd.s32 v45, v13;
	v13 =	vor.u32 v11, v10;
	v11 =	vor.u32 v3, v53;
	(pc) =	sbr.rel @p0 .LBB2_14-.Ltmp6, $4  }
0x1af: {  	v53 =	vor.u32 v63, v4;
	v10 =	vor.u32 v0, v8;
	v9 =	vor.u32 v20, v9  }
0x1b0: {  	v8 =	vor.u32 v58, v54;
	v54 =	vor.u32 v61, v56;
	[tilespmem:v31+s20+$0x0] =	vst.idx.msk $0xffff, v2;
	v2 =	vand.u32 $0xFFFFFF80, v32  }
0x1b1: {  	[tilespmem:v51+s20+$0x0] =	vst.idx.msk $0xffff, v37;
	v31 =	vand.u32 $0xFFFFFF80, v36;
	v2 =	vadd.s32 v62, v2;
	v62 =	vand.u32 $0x7F, v32  }
0x1b2: {  	s28 =	sadd.s32 $0x100, s28;
	[tilespmem:v49+s20+$0x0] =	vst.idx.msk $0xffff, v34;
	v15 =	vadd.s32 v16, v31;
	v16 =	vand.u32 $0x7F, v36;
	v51 =	vor.u32 v62, v2  }
0x1b3: {  	_ =	sdelay $0x3  }
0x1b4: {  	v0 =	vld.idx.msk [tilespmem:v14+s14+$0x0], $0xffff  }
0x1b5: {  	v2 =	vld.idx.msk [tilespmem:v13+s14+$0x0], $0xffff  }
0x1b6: {  	v3 =	vld.idx.msk [tilespmem:v12+s14+$0x0], $0xffff  }
0x1b7: {  	v4 =	vld.idx.msk [tilespmem:v11+s14+$0x0], $0xffff  }
0x1b8: {  	v5 =	vld.idx.msk [tilespmem:v10+s14+$0x0], $0xffff  }
0x1b9: {  	v17 =	vld.idx.msk [tilespmem:v9+s14+$0x0], $0xffff  }
0x1ba: {  	v20 =	vld.idx.msk [tilespmem:v8+s14+$0x0], $0xffff;
	s0 =	simm.s32 $0xF0;
	v22 =	vor.u32 v16, v15  }
0x1bb: {  	v21 =	vld.idx.msk [tilespmem:v7+s14+$0x0], $0xffff;
	v18 =	vor.u32 v18, v19;
	s3 =	simm.s32 $0x0;
	s26 =	simm.s32 $0x10;
	s29 =	simm.s32 $0x30;
	v1 =	vimm.s32 $0x0;
	v15 =	vor.u32 s0, v52  }
0x1bc: {  	v19 =	vld.idx.msk [tilespmem:v6+s14+$0x0], $0xffff;
	s30 =	simm.s32 $0x40;
	s31 =	simm.s32 $0x50;
	v24 =	vor.u32 s3, v52;
	v25 =	vor.u32 s26, v52;
	v29 =	vor.u32 s29, v52  }
0x1bd: {  	v23 =	vld.idx.msk [tilespmem:v54+s14+$0x0], $0xffff;
	s28 =	simm.s32 $0x60;
	v31 =	vor.u32 s30, v52;
	v32 =	vor.u32 s31, v52;
	v16 =	vmulhi.u32 $0x4EC4EC4F, v15  }
0x1be: {  	v26 =	vld.idx.msk [tilespmem:v51+s14+$0x0], $0xffff;
	s26 =	simm.s32 $0x20;
	v33 =	vor.u32 s28, v52;
	s29 =	simm.s32 $0x80;
	v42 =	vmov s3;
	v27 =	vmulhi.u32 $0x4EC4EC4F, v24  }
0x1bf: {  	v30 =	vld.idx.msk [tilespmem:v50+s14+$0x0], $0xffff;
	s28 =	simm.s32 $0x90;
	v28 =	vor.u32 s26, v52;
	v36 =	vor.u32 s29, v52;
	v46 =	vmulhi.u32 $0x4EC4EC4F, v25  }
0x1c0: {  	s30 =	simm.s32 $0xA0;
	v39 =	vor.u32 s28, v52;
	v49 =	vmulhi.u32 $0x4EC4EC4F, v29;
	v27 =	vshrl.u32 v27, $0x3;
	v41 =	vld.idx.msk [tilespmem:v18+s14+$0x0], $0xffff  }
0x1c1: {  	s31 =	simm.s32 $0xB0;
	v40 =	vor.u32 s30, v52;
	v60 =	vmulhi.u32 $0x4EC4EC4F, v31;
	v38 =	vmul.u32 $0xFFFFFFE6, v27;
	v0 =	vld.idx.msk [tilespmem:v0+s4+$0x0], $0xffff  }
0x1c2: {  	v43 =	vsub.s32 $0x0, v24;
	v44 =	vor.u32 s31, v52;
	v61 =	vmulhi.u32 $0x4EC4EC4F, v32;
	v2 =	vld.idx.msk [tilespmem:v2+s4+$0x0], $0xffff  }
0x1c3: {  	s26 =	simm.s32 $0x70;
	s30 =	simm.s32 $0xD0;
	vm0 =	veq.s32 v42, v52;
	v62 =	vmulhi.u32 $0x4EC4EC4F, v33;
	vm1 =	vne.s32 v38, v43;
	v3 =	vld.idx.msk [tilespmem:v3+s4+$0x0], $0xffff  }
0x1c4: {  	s31 =	simm.s32 $0xE0;
	v35 =	vor.u32 s26, v52;
	v42 =	vor.u32 s30, v52;
	vm0 =	vmand vm0, vm1;
	v4 =	vld.idx.msk [tilespmem:v4+s4+$0x0], $0xffff  }
0x1c5: {  	v58 =	vor.u32 s31, v52;
	v59 =	vmulhi.u32 $0x4EC4EC4F, v28;
	v17 =	vld.idx.msk [tilespmem:v17+s4+$0x0], $0xffff;
	v45 =	vsel vm0, $0xFFFFFFFF, v1  }
0x1c6: {  	v16 =	vshrl.u32 v16, $0x3;
	v46 =	vshrl.u32 v46, $0x3;
	v5 =	vld.idx.msk [tilespmem:v5+s4+$0x0], $0xffff;
	v27 =	vadd.s32 v45, v27;
	[tilespmem:v14+s20+$0x0] =	vst.idx.msk $0xffff, v0  }
0x1c7: {  	s29 =	simm.s32 $0xC0;
	v37 =	vld.idx.msk [tilespmem:v22+s14+$0x0], $0xffff;
	v47 =	vmul.u32 $0xFFFFFFE6, v16;
	v16 =	vshll.u32 v16, $0x7;
	v48 =	vmul.u32 $0xFFFFFFE6, v27;
	[tilespmem:v13+s20+$0x0] =	vst.idx.msk $0xffff, v2  }
0x1c8: {  	v38 =	vor.u32 s29, v52;
	v0 =	vmul.u32 $0xFFFFFFE6, v46;
	v14 =	vshrl.u32 v59, $0x3;
	v2 =	vld.idx.msk [tilespmem:v20+s4+$0x0], $0xffff;
	[tilespmem:v12+s20+$0x0] =	vst.idx.msk $0xffff, v3  }
0x1c9: {  	v13 =	vadd.s32 v24, v48;
	v20 =	vshrl.u32 v49, $0x3;
	v3 =	vld.idx.msk [tilespmem:v21+s4+$0x0], $0xffff;
	[tilespmem:v11+s20+$0x0] =	vst.idx.msk $0xffff, v4;
	v48 =	vmulhi.u32 $0x4EC4EC4F, v42  }
0x1ca: {  	v21 =	vshll.u32 v27, $0x7;
	v4 =	vld.idx.msk [tilespmem:v19+s4+$0x0], $0xffff;
	[tilespmem:v9+s20+$0x0] =	vst.idx.msk $0xffff, v17;
	v17 =	vshrl.u32 v61, $0x3;
	v49 =	vmulhi.u32 $0x4EC4EC4F, v58  }
0x1cb: {  	[tilespmem:v10+s20+$0x0] =	vst.idx.msk $0xffff, v5;
	v5 =	vld.idx.msk [tilespmem:v23+s4+$0x0], $0xffff;
	v12 =	vand.u32 $0xFFFFFF80, v13;
	v11 =	vand.u32 $0x7F, v13;
	v13 =	vmulhi.u32 $0x4EC4EC4F, v35  }
0x1cc: {  	v9 =	vld.idx.msk [tilespmem:v26+s4+$0x0], $0xffff;
	v19 =	vshrl.u32 v62, $0x3;
	v12 =	vadd.s32 v21, v12;
	v21 =	vmulhi.u32 $0x4EC4EC4F, v39  }
0x1cd: {  	v23 =	vld.idx.msk [tilespmem:v30+s4+$0x0], $0xffff;
	v27 =	vshrl.u32 v48, $0x3;
	v30 =	vshrl.u32 v49, $0x3;
	v0 =	vadd.s32 v25, v0;
	[tilespmem:v8+s20+$0x0] =	vst.idx.msk $0xffff, v2  }
0x1ce: {  	v45 =	vld.idx.msk [tilespmem:v41+s4+$0x0], $0xffff;
	v10 =	vor.u32 v11, v12;
	v11 =	vshrl.u32 v60, $0x3;
	v12 =	vmulhi.u32 $0x4EC4EC4F, v36;
	[tilespmem:v7+s20+$0x0] =	vst.idx.msk $0xffff, v3  }
0x1cf: {  	v57 =	vmul.u32 $0xFFFFFFE6, v30;
	v30 =	vshll.u32 v30, $0x7;
	v2 =	vshrl.u32 v13, $0x3;
	[tilespmem:v6+s20+$0x0] =	vst.idx.msk $0xffff, v4  }
0x1d0: {  	v34 =	vld.idx.msk [tilespmem:v53+s14+$0x0], $0xffff;
	v8 =	vshrl.u32 v12, $0x3;
	v12 =	vmulhi.u32 $0x4EC4EC4F, v40;
	v3 =	vmul.u32 $0xFFFFFFE6, v14;
	[tilespmem:v54+s20+$0x0] =	vst.idx.msk $0xffff, v5  }
0x1d1: {  	v7 =	vshrl.u32 v21, $0x3;
	v21 =	vmulhi.u32 $0x4EC4EC4F, v44;
	v4 =	vmul.u32 $0xFFFFFFE6, v20;
	[tilespmem:v51+s20+$0x0] =	vst.idx.msk $0xffff, v9  }
0x1d2: {  	v5 =	vmul.u32 $0xFFFFFFE6, v11;
	v9 =	vmul.u32 $0xFFFFFFE6, v17;
	[tilespmem:v50+s20+$0x0] =	vst.idx.msk $0xffff, v23;
	v23 =	vmul.u32 $0xFFFFFFE6, v19  }
0x1d3: {  	[tilespmem:v18+s20+$0x0] =	vst.idx.msk $0xffff, v45;
	v18 =	vmul.u32 $0xFFFFFFE6, v27;
	v25 =	vadd.s32 v58, v57;
	v14 =	vshll.u32 v14, $0x7  }
0x1d4: {  	v20 =	vshll.u32 v20, $0x7;
	v11 =	vshll.u32 v11, $0x7;
	v17 =	vshll.u32 v17, $0x7  }
0x1d5: {  	v19 =	vshll.u32 v19, $0x7;
	v27 =	vshll.u32 v27, $0x7;
	v51 =	vmul.u32 $0xFFFFFFE6, v2  }
0x1d6: {  	v63 =	vld.idx.msk [tilespmem:v37+s4+$0x0], $0xffff;
	v54 =	vmul.u32 $0xFFFFFFE6, v7;
	v2 =	vshll.u32 v2, $0x7;
	v7 =	vshll.u32 v7, $0x7  }
0x1d7: {  	v6 =	vshrl.u32 v12, $0x3;
	v12 =	vmulhi.u32 $0x4EC4EC4F, v38;
	v21 =	vshrl.u32 v21, $0x3  }
0x1d8: {  	v13 =	vld.idx.msk [tilespmem:v34+s4+$0x0], $0xffff;
	v3 =	vadd.s32 v28, v3;
	v4 =	vadd.s32 v29, v4;
	v5 =	vadd.s32 v31, v5  }
0x1d9: {  	v26 =	vadd.s32 v32, v9;
	v23 =	vadd.s32 v33, v23;
	v18 =	vadd.s32 v42, v18  }
0x1da: {  	v9 =	vand.u32 $0xFFFFFF80, v0;
	v32 =	vadd.s32 v15, v47;
	v0 =	vand.u32 $0x7F, v0  }
0x1db: {  	[tilespmem:v22+s20+$0x0] =	vst.idx.msk $0xffff, v63;
	v22 =	vmul.u32 $0xFFFFFFE6, v6;
	v55 =	vmul.u32 $0xFFFFFFE6, v21;
	v28 =	vadd.s32 v35, v51  }
0x1dc: {  	v29 =	vadd.s32 v39, v54;
	v15 =	vand.u32 $0xFFFFFF80, v3;
	v58 =	vand.u32 $0xFFFFFF80, v4  }
0x1dd: {  	v59 =	vand.u32 $0xFFFFFF80, v5;
	v60 =	vand.u32 $0xFFFFFF80, v26;
	v61 =	vand.u32 $0xFFFFFF80, v23;
	[tilespmem:v53+s20+$0x0] =	vst.idx.msk $0xffff, v13  }
0x1de: {  	v50 =	vand.u32 $0xFFFFFF80, v18;
	v51 =	vshll.u32 v46, $0x7;
	v54 =	vand.u32 $0xFFFFFF80, v32;
	[hbm4b:s11+s4] =	stream.linear.scatter [tilespmem:s20], [sflag:$0x3], $0x4000, $0x38;
	[tilespmem:$0x10D00] =	vst v63  }
0x1df: {  	v6 =	vshll.u32 v6, $0x7;
	v21 =	vshll.u32 v21, $0x7;
	v3 =	vand.u32 $0x7F, v3;
	_ =	swait.ge [sflag:s21], $0x4000  }
0x1e0: {  	v4 =	vand.u32 $0x7F, v4;
	v5 =	vand.u32 $0x7F, v5;
	v12 =	vshrl.u32 v12, $0x3;
	[sflag:s21] =	ssyncset.done $0x0  }
0x1e1: {  	v62 =	vand.u32 $0xFFFFFF80, v28;
	v39 =	vand.u32 $0xFFFFFF80, v29;
	v14 =	vadd.s32 v14, v15;
	[sflag:s21] =	ssyncadd.s32 $0xFFFFC000  }
0x1e2: {  	v33 =	vadd.s32 v20, v58;
	v11 =	vadd.s32 v11, v59;
	v17 =	vadd.s32 v17, v60;
	_ =	swait.ge [sflag:s24], $0x4000  }
0x1e3: {  	v27 =	vadd.s32 v27, v50;
	v20 =	vadd.s32 v16, v54;
	v13 =	vmul.u32 $0xFFFFFFE6, v8;
	[sflag:s24] =	ssyncset.done $0x0  }
0x1e4: {  	v56 =	vmul.u32 $0xFFFFFFE6, v12;
	v22 =	vadd.s32 v40, v22;
	v24 =	vadd.s32 v44, v55;
	[sflag:s24] =	ssyncadd.s32 $0xFFFFC000  }
0x1e5: {  	v53 =	vand.u32 $0xFFFFFF80, v25;
	v44 =	vadd.s32 v51, v9;
	v8 =	vshll.u32 v8, $0x7;
	v9 =	vld.idx.msk [tilespmem:v10+s15+$0x0], $0xffff  }
0x1e6: {  	v12 =	vshll.u32 v12, $0x7;
	v55 =	vadd.s32 v19, v61;
	v2 =	vadd.s32 v2, v62  }
0x1e7: {  	v57 =	vadd.s32 v7, v39;
	v7 =	vand.u32 $0x7F, v26;
	v61 =	vand.u32 $0x7F, v29  }
0x1e8: {  	v19 =	vand.u32 $0x7F, v32;
	v16 =	vor.u32 v3, v14;
	v14 =	vor.u32 v4, v33  }
0x1e9: {  	v40 =	vand.u32 $0xFFFFFF80, v22;
	v48 =	vand.u32 $0xFFFFFF80, v24;
	v22 =	vand.u32 $0x7F, v22  }
0x1ea: {  	v24 =	vand.u32 $0x7F, v24;
	v15 =	vor.u32 v0, v44;
	v13 =	vadd.s32 v36, v13  }
0x1eb: {  	v31 =	vadd.s32 v38, v56;
	v58 =	vadd.s32 v6, v40;
	v21 =	vadd.s32 v21, v48  }
0x1ec: {  	v63 =	vand.u32 $0xFFFFFF80, v13;
	v49 =	vand.u32 $0xFFFFFF80, v31;
	v60 =	vand.u32 $0x7F, v13  }
0x1ed: {  	v62 =	vand.u32 $0x7F, v31;
	v13 =	vor.u32 v5, v11;
	v5 =	vor.u32 v22, v58;
	v6 =	vld.idx.msk [tilespmem:v9+s4+$0x0], $0xffff  }
0x1ee: {  	v4 =	vor.u32 v24, v21;
	v56 =	vadd.s32 v8, v63;
	v59 =	vadd.s32 v12, v49  }
0x1ef: {  	v8 =	vand.u32 $0x7F, v23;
	v23 =	vand.u32 $0x7F, v28;
	v63 =	vand.u32 $0x7F, v18  }
0x1f0: {  	v12 =	vor.u32 v7, v17;
	v11 =	vor.u32 v8, v55;
	v8 =	vor.u32 v23, v2  }
0x1f1: {  	v7 =	vor.u32 v60, v56;
	v3 =	vor.u32 v62, v59;
	v17 =	vor.u32 v63, v27  }
0x1f2: {  	s28 =	simm.s32 $0x1F0;
	s26 =	simm.s32 $0x0;
	v18 =	vand.u32 $0x7F, v25;
	v9 =	vadd.s32 v30, v53;
	[tilespmem:v10+s22+$0x0] =	vst.idx.msk $0xffff, v6;
	v6 =	vor.u32 v61, v57  }
.LBB2_16:
0x1f3: {  	s0 =	sadd.s32 $0xFFFFFF10, s28;
	v1 =	vor.u32 s28, v52;
	v10 =	vor.u32 v18, v9  }
0x1f4: {  	s3 =	sadd.s32 $0xFFFFFF20, s28;
	v2 =	vor.u32 v19, v20;
	s30 =	sadd.s32 $0xFFFFFF30, s28;
	v31 =	vor.u32 s0, v52;
	v18 =	vmulhi.u32 $0x4EC4EC4F, v1  }
0x1f5: {  	s29 =	sadd.s32 $0xFFFFFF40, s28;
	s31 =	sadd.s32 $0xFFFFFF60, s28;
	v19 =	vor.u32 s3, v52;
	v20 =	vor.u32 s30, v52;
	v25 =	vmulhi.u32 $0x4EC4EC4F, v31  }
0x1f6: {  	v21 =	vor.u32 s29, v52;
	v22 =	vor.u32 s31, v52;
	v44 =	vmulhi.u32 $0x4EC4EC4F, v19  }
0x1f7: {  	v0 =	vld.idx.msk [tilespmem:v15+s15+$0x0], $0xffff;
	[tilespmem:$0x1FF40] =	vst v1;
	s3 =	sadd.s32 $0xFFFFFF50, s28;
	s30 =	sadd.s32 $0xFFFFFF70, s28;
	v37 =	vmov s0;
	v1 =	vimm.s32 $0x0;
	v58 =	vmulhi.u32 $0x4EC4EC4F, v20  }
0x1f8: {  	v32 =	vld.idx.msk [tilespmem:v16+s15+$0x0], $0xffff;
	s29 =	sadd.s32 $0xFFFFFFC0, s28;
	v24 =	vor.u32 s3, v52;
	v23 =	vor.u32 s30, v52;
	v59 =	vmulhi.u32 $0x4EC4EC4F, v21  }
0x1f9: {  	v33 =	vld.idx.msk [tilespmem:v14+s15+$0x0], $0xffff;
	s3 =	sadd.s32 $0xFFFFFF80, s28;
	v38 =	vsub.s32 $0x0, v31;
	v39 =	vor.u32 s29, v52;
	v61 =	vmulhi.u32 $0x4EC4EC4F, v22  }
0x1fa: {  	v34 =	vld.idx.msk [tilespmem:v13+s15+$0x0], $0xffff;
	s30 =	sadd.s32 $0xFFFFFFA0, s28;
	vm0 =	veq.s32 v37, v52;
	v26 =	vor.u32 s3, v52;
	v60 =	vmulhi.u32 $0x4EC4EC4F, v24  }
0x1fb: {  	v35 =	vld.idx.msk [tilespmem:v12+s15+$0x0], $0xffff;
	s31 =	sadd.s32 $0xFFFFFF90, s28;
	s3 =	sadd.s32 $0xFFFFFFB0, s28;
	v29 =	vor.u32 s30, v52;
	v18 =	vshrl.u32 v18, $0x3;
	v56 =	vmulhi.u32 $0x4EC4EC4F, v23  }
0x1fc: {  	v36 =	vld.idx.msk [tilespmem:v11+s15+$0x0], $0xffff;
	s30 =	sadd.s32 $0xFFFFFFF0, s28;
	v27 =	vshrl.u32 v25, $0x3;
	v25 =	vor.u32 s31, v52;
	v30 =	vor.u32 s3, v52  }
0x1fd: {  	v45 =	vld.idx.msk [tilespmem:v5+s15+$0x0], $0xffff;
	s31 =	sadd.s32 $0xFFFFFFD0, s28;
	v42 =	vor.u32 s30, v52;
	v9 =	vmul.u32 $0xFFFFFFE6, v18;
	v62 =	vmulhi.u32 $0x4EC4EC4F, v26  }
0x1fe: {  	v50 =	vld.idx.msk [tilespmem:v3+s15+$0x0], $0xffff;
	s3 =	sadd.s32 $0xFFFFFFE0, s28;
	v28 =	vmul.u32 $0xFFFFFFE6, v27;
	v37 =	vor.u32 s31, v52;
	v63 =	vmulhi.u32 $0x4EC4EC4F, v25  }
0x1ff: {  	v41 =	vor.u32 s3, v52;
	v54 =	vld.idx.msk [tilespmem:v10+s15+$0x0], $0xffff;
	v56 =	vshrl.u32 v56, $0x3;
	v47 =	vmulhi.u32 $0x4EC4EC4F, v42  }
0x200: {  	[tilespmem:$0x1FF50] =	vst v10;
	v10 =	vmulhi.u32 $0x4EC4EC4F, v41;
	vm1 =	vne.s32 v28, v38;
	v28 =	vshrl.u32 v58, $0x3;
	v0 =	vld.idx.msk [tilespmem:v0+s4+$0x0], $0xffff  }
0x201: {  	v58 =	vmulhi.u32 $0x4EC4EC4F, v29;
	v52 =	vshrl.u32 v63, $0x3;
	vm0 =	vmand vm0, vm1;
	v32 =	vld.idx.msk [tilespmem:v32+s4+$0x0], $0xffff  }
0x202: {  	v63 =	vmulhi.u32 $0x4EC4EC4F, v37;
	v33 =	vld.idx.msk [tilespmem:v33+s4+$0x0], $0xffff;
	v10 =	vshrl.u32 v10, $0x3;
	v57 =	vsel vm0, $0xFFFFFFFF, v1  }
0x203: {  	v34 =	vld.idx.msk [tilespmem:v34+s4+$0x0], $0xffff;
	v58 =	vshrl.u32 v58, $0x3;
	v46 =	vadd.s32 v57, v27;
	v27 =	vshrl.u32 v44, $0x3  }
0x204: {  	v35 =	vld.idx.msk [tilespmem:v35+s4+$0x0], $0xffff;
	v44 =	vshrl.u32 v59, $0x3;
	v59 =	vmulhi.u32 $0x4EC4EC4F, v30;
	v49 =	vmul.u32 $0xFFFFFFE6, v46  }
0x205: {  	v40 =	vld.idx.msk [tilespmem:v8+s15+$0x0], $0xffff;
	v51 =	vmul.u32 $0xFFFFFFE6, v27;
	v46 =	vshll.u32 v46, $0x7;
	v27 =	vshll.u32 v27, $0x7;
	[tilespmem:v15+s22+$0x0] =	vst.idx.msk $0xffff, v0  }
0x206: {  	v38 =	vld.idx.msk [tilespmem:v7+s15+$0x0], $0xffff;
	v59 =	vshrl.u32 v59, $0x3;
	v31 =	vadd.s32 v31, v49;
	v49 =	vshrl.u32 v61, $0x3;
	[tilespmem:v16+s22+$0x0] =	vst.idx.msk $0xffff, v32  }
0x207: {  	v36 =	vld.idx.msk [tilespmem:v36+s4+$0x0], $0xffff;
	v61 =	vmulhi.u32 $0x4EC4EC4F, v39;
	v15 =	vshrl.u32 v63, $0x3;
	v32 =	vmul.u32 $0xFFFFFFE6, v56;
	[tilespmem:v14+s22+$0x0] =	vst.idx.msk $0xffff, v33  }
0x208: {  	v43 =	vld.idx.msk [tilespmem:v6+s15+$0x0], $0xffff;
	v33 =	vmul.u32 $0xFFFFFFE6, v52;
	v63 =	vshrl.u32 v47, $0x3;
	[tilespmem:v13+s22+$0x0] =	vst.idx.msk $0xffff, v34;
	v34 =	vmul.u32 $0xFFFFFFE6, v59  }
0x209: {  	[tilespmem:v12+s22+$0x0] =	vst.idx.msk $0xffff, v35;
	v19 =	vadd.s32 v19, v51;
	v35 =	vmul.u32 $0xFFFFFFE6, v10;
	v51 =	vld.idx.msk [tilespmem:v50+s4+$0x0], $0xffff;
	v50 =	vshll.u32 v58, $0x7  }
0x20a: {  	v48 =	vld.idx.msk [tilespmem:v4+s15+$0x0], $0xffff;
	v10 =	vshll.u32 v10, $0x7;
	v55 =	vand.u32 $0xFFFFFF80, v31;
	v31 =	vand.u32 $0x7F, v31  }
0x20b: {  	v12 =	vld.idx.msk [tilespmem:v45+s4+$0x0], $0xffff;
	v0 =	vmul.u32 $0xFFFFFFE6, v49;
	v47 =	vmul.u32 $0xFFFFFFE6, v15;
	v45 =	vmul.u32 $0xFFFFFFE6, v63  }
0x20c: {  	[tilespmem:v11+s22+$0x0] =	vst.idx.msk $0xffff, v36;
	v36 =	vand.u32 $0xFFFFFF80, v19;
	v15 =	vshll.u32 v15, $0x7;
	v46 =	vadd.s32 v46, v55  }
0x20d: {  	v55 =	vshrl.u32 v62, $0x3;
	v62 =	vmul.u32 $0xFFFFFFE6, v44;
	v61 =	vshrl.u32 v61, $0x3  }
0x20e: {  	v14 =	vld.idx.msk [tilespmem:v38+s4+$0x0], $0xffff;
	v38 =	vmul.u32 $0xFFFFFFE6, v58;
	v25 =	vadd.s32 v25, v33;
	v30 =	vadd.s32 v30, v34  }
0x20f: {  	v16 =	vld.idx.msk [tilespmem:v40+s4+$0x0], $0xffff;
	v34 =	vadd.s32 v41, v35;
	v31 =	vor.u32 v31, v46;
	v46 =	vshrl.u32 v60, $0x3  }
0x210: {  	v13 =	vld.idx.msk [tilespmem:v43+s4+$0x0], $0xffff;
	v60 =	vmul.u32 $0xFFFFFFE6, v28;
	v40 =	vmul.u32 $0xFFFFFFE6, v55;
	v43 =	vmul.u32 $0xFFFFFFE6, v61  }
0x211: {  	v57 =	vld.idx.msk [tilespmem:v2+s15+$0x0], $0xffff;
	v0 =	vadd.s32 v22, v0;
	v22 =	vadd.s32 v23, v32;
	v33 =	vadd.s32 v37, v47  }
0x212: {  	[tilespmem:$0x1FF60] =	vst v2;
	v11 =	vld.idx.msk [tilespmem:v48+s4+$0x0], $0xffff;
	v37 =	vadd.s32 v42, v45;
	v2 =	vmul.u32 $0xFFFFFFE6, v46;
	v21 =	vadd.s32 v21, v62  }
0x213: {  	v29 =	vadd.s32 v29, v38;
	v62 =	vand.u32 $0xFFFFFF80, v37;
	v20 =	vadd.s32 v20, v60  }
0x214: {  	v48 =	vshll.u32 v46, $0x7;
	v23 =	vadd.s32 v26, v40;
	v32 =	vadd.s32 v39, v43;
	[tilespmem:v8+s22+$0x0] =	vst.idx.msk $0xffff, v16  }
0x215: {  	v40 =	vand.u32 $0xFFFFFF80, v21;
	v8 =	vand.u32 $0xFFFFFF80, v0;
	v16 =	vand.u32 $0xFFFFFF80, v22;
	[tilespmem:v6+s22+$0x0] =	vst.idx.msk $0xffff, v13  }
0x216: {  	v60 =	vand.u32 $0xFFFFFF80, v30;
	v6 =	vand.u32 $0xFFFFFF80, v33;
	v13 =	vand.u32 $0xFFFFFF80, v34;
	[tilespmem:v5+s22+$0x0] =	vst.idx.msk $0xffff, v12  }
0x217: {  	v53 =	vld.idx.msk [tilespmem:v17+s15+$0x0], $0xffff;
	v5 =	vshll.u32 v28, $0x7;
	v12 =	vshll.u32 v44, $0x7;
	[tilespmem:v4+s22+$0x0] =	vst.idx.msk $0xffff, v11;
	v4 =	vshll.u32 v49, $0x7  }
0x218: {  	v35 =	vld.idx.msk [tilespmem:v54+s4+$0x0], $0xffff;
	v11 =	vshll.u32 v56, $0x7;
	v49 =	vshll.u32 v55, $0x7;
	[tilespmem:v3+s22+$0x0] =	vst.idx.msk $0xffff, v51;
	v3 =	vshll.u32 v52, $0x7  }
0x219: {  	v54 =	vld [tilespmem:$0x1FF40];
	v52 =	vlaneseq.u32;
	v51 =	vshll.u32 v59, $0x7;
	v55 =	vshll.u32 v63, $0x7  }
0x21a: {  	v56 =	vshll.u32 v18, $0x7;
	v0 =	vand.u32 $0x7F, v0;
	v59 =	vand.u32 $0x7F, v29  }
0x21b: {  	v2 =	vadd.s32 v24, v2;
	v39 =	vand.u32 $0xFFFFFF80, v20;
	v12 =	vadd.s32 v12, v40;
	v1 =	vld.idx.msk [tilespmem:v31+s15+$0x0], $0xffff  }
0x21c: {  	v4 =	vadd.s32 v4, v8;
	v8 =	vadd.s32 v11, v16;
	v58 =	vadd.s32 v51, v60  }
0x21d: {  	v10 =	vadd.s32 v10, v13;
	v11 =	vand.u32 $0x7F, v21;
	v21 =	vand.u32 $0x7F, v22  }
0x21e: {  	v18 =	vld [tilespmem:$0x1FF60];
	v22 =	vand.u32 $0x7F, v23;
	v60 =	vand.u32 $0x7F, v30;
	v38 =	vadd.s32 v54, v9  }
0x21f: {  	v9 =	vld.idx.msk [tilespmem:v57+s4+$0x0], $0xffff;
	v41 =	vand.u32 $0xFFFFFF80, v2;
	v57 =	vand.u32 $0xFFFFFF80, v23;
	[tilespmem:v7+s22+$0x0] =	vst.idx.msk $0xffff, v14;
	v7 =	vand.u32 $0xFFFFFF80, v25  }
0x220: {  	v14 =	vand.u32 $0xFFFFFF80, v29;
	v54 =	vadd.s32 v27, v36;
	v5 =	vadd.s32 v5, v39  }
0x221: {  	v26 =	vld.idx.msk [tilespmem:v53+s4+$0x0], $0xffff;
	v2 =	vand.u32 $0x7F, v2;
	v23 =	vand.u32 $0x7F, v25;
	v45 =	vand.u32 $0xFFFFFF80, v38  }
0x222: {  	v53 =	vld [tilespmem:$0x1FF50];
	v28 =	vadd.s32 v48, v41;
	v57 =	vadd.s32 v49, v57;
	v3 =	vadd.s32 v3, v7  }
0x223: {  	v24 =	vadd.s32 v50, v14;
	v7 =	vand.u32 $0x7F, v20;
	v14 =	vor.u32 v11, v12;
	v1 =	vld.idx.msk [tilespmem:v1+s4+$0x0], $0xffff  }
0x224: {  	v12 =	vor.u32 v0, v4;
	v11 =	vor.u32 v21, v8;
	v20 =	vadd.s32 v56, v45  }
0x225: {  	s26 =	sadd.s32 $0x10, s26;
	v16 =	vor.u32 v7, v5;
	v13 =	vor.u32 v2, v28;
	v8 =	vor.u32 v22, v57  }
0x226: {  	p0 =	slt.u32 s26, $0xC0;
	v63 =	vand.u32 $0x7F, v34;
	v7 =	vor.u32 v23, v3;
	v5 =	vor.u32 v60, v58;
	[tilespmem:v17+s22+$0x0] =	vst.idx.msk $0xffff, v26  }
.Ltmp7:
0x227: {  	v17 =	vshll.u32 v61, $0x7;
	v61 =	vand.u32 $0x7F, v32;
	[tilespmem:v18+s22+$0x0] =	vst.idx.msk $0xffff, v9;
	v9 =	vadd.s32 v55, v62;
	(pc) =	sbr.rel @p0 .LBB2_16-.Ltmp7, $4  }
0x228: {  	v62 =	vand.u32 $0x7F, v33;
	v18 =	vand.u32 $0x7F, v37;
	[tilespmem:v31+s22+$0x0] =	vst.idx.msk $0xffff, v1;
	v1 =	vand.u32 $0xFFFFFF80, v32  }
0x229: {  	v1 =	vadd.s32 v17, v1;
	v17 =	vadd.s32 v15, v6;
	v6 =	vand.u32 $0x7F, v19  }
0x22a: {  	[tilespmem:v53+s22+$0x0] =	vst.idx.msk $0xffff, v35;
	v19 =	vand.u32 $0x7F, v38;
	v15 =	vor.u32 v6, v54;
	v6 =	vor.u32 v59, v24  }
0x22b: {  	s28 =	sadd.s32 $0x100, s28;
	v4 =	vor.u32 v61, v1;
	v3 =	vor.u32 v62, v17;
	v17 =	vor.u32 v63, v10  }
0x22c: {  	_ =	sdelay $0x3  }
0x22d: {  	v0 =	vld.idx.msk [tilespmem:v15+s15+$0x0], $0xffff  }
0x22e: {  	v1 =	vld.idx.msk [tilespmem:v16+s15+$0x0], $0xffff  }
0x22f: {  	v2 =	vld.idx.msk [tilespmem:v14+s15+$0x0], $0xffff  }
0x230: {  	v10 =	vld.idx.msk [tilespmem:v13+s15+$0x0], $0xffff  }
0x231: {  	v21 =	vld.idx.msk [tilespmem:v12+s15+$0x0], $0xffff  }
0x232: {  	v22 =	vld.idx.msk [tilespmem:v11+s15+$0x0], $0xffff  }
0x233: {  	v23 =	vld.idx.msk [tilespmem:v8+s15+$0x0], $0xffff  }
0x234: {  	v24 =	vld.idx.msk [tilespmem:v7+s15+$0x0], $0xffff  }
0x235: {  	v9 =	vor.u32 v18, v9;
	v53 =	vld.idx.msk [tilespmem:v6+s15+$0x0], $0xffff  }
0x236: {  	v19 =	vor.u32 v19, v20;
	v54 =	vld.idx.msk [tilespmem:v5+s15+$0x0], $0xffff  }
0x237: {  	v25 =	vld.idx.msk [tilespmem:v4+s15+$0x0], $0xffff  }
0x238: {  	v26 =	vld.idx.msk [tilespmem:v3+s15+$0x0], $0xffff  }
0x239: {  	v27 =	vld.idx.msk [tilespmem:v17+s15+$0x0], $0xffff  }
0x23a: {  	v28 =	vld.idx.msk [tilespmem:v9+s15+$0x0], $0xffff  }
0x23b: {  	v29 =	vld.idx.msk [tilespmem:v19+s15+$0x0], $0xffff  }
0x23c: {  	v0 =	vld.idx.msk [tilespmem:v0+s4+$0x0], $0xffff  }
0x23d: {  	v1 =	vld.idx.msk [tilespmem:v1+s4+$0x0], $0xffff  }
0x23e: {  	v2 =	vld.idx.msk [tilespmem:v2+s4+$0x0], $0xffff  }
0x23f: {  	v10 =	vld.idx.msk [tilespmem:v10+s4+$0x0], $0xffff  }
0x240: {  	v21 =	vld.idx.msk [tilespmem:v21+s4+$0x0], $0xffff  }
0x241: {  	v22 =	vld.idx.msk [tilespmem:v22+s4+$0x0], $0xffff;
	[tilespmem:v15+s22+$0x0] =	vst.idx.msk $0xffff, v0  }
0x242: {  	v55 =	vld.idx.msk [tilespmem:v23+s4+$0x0], $0xffff;
	[tilespmem:v16+s22+$0x0] =	vst.idx.msk $0xffff, v1  }
0x243: {  	v56 =	vld.idx.msk [tilespmem:v24+s4+$0x0], $0xffff;
	[tilespmem:v14+s22+$0x0] =	vst.idx.msk $0xffff, v2  }
0x244: {  	v57 =	vld.idx.msk [tilespmem:v53+s4+$0x0], $0xffff;
	[tilespmem:v13+s22+$0x0] =	vst.idx.msk $0xffff, v10  }
0x245: {  	v58 =	vld.idx.msk [tilespmem:v54+s4+$0x0], $0xffff;
	[tilespmem:v12+s22+$0x0] =	vst.idx.msk $0xffff, v21  }
0x246: {  	v59 =	vld.idx.msk [tilespmem:v25+s4+$0x0], $0xffff;
	[tilespmem:v11+s22+$0x0] =	vst.idx.msk $0xffff, v22  }
0x247: {  	v60 =	vld.idx.msk [tilespmem:v26+s4+$0x0], $0xffff;
	[tilespmem:v8+s22+$0x0] =	vst.idx.msk $0xffff, v55  }
0x248: {  	v61 =	vld.idx.msk [tilespmem:v27+s4+$0x0], $0xffff;
	[tilespmem:v7+s22+$0x0] =	vst.idx.msk $0xffff, v56  }
0x249: {  	v62 =	vld.idx.msk [tilespmem:v28+s4+$0x0], $0xffff;
	[tilespmem:v6+s22+$0x0] =	vst.idx.msk $0xffff, v57  }
0x24a: {  	v63 =	vld.idx.msk [tilespmem:v29+s4+$0x0], $0xffff;
	[tilespmem:v5+s22+$0x0] =	vst.idx.msk $0xffff, v58  }
0x24b: {  	[tilespmem:v4+s22+$0x0] =	vst.idx.msk $0xffff, v59  }
0x24c: {  	[tilespmem:v3+s22+$0x0] =	vst.idx.msk $0xffff, v60  }
0x24d: {  	[tilespmem:v17+s22+$0x0] =	vst.idx.msk $0xffff, v61  }
0x24e: {  	[tilespmem:v9+s22+$0x0] =	vst.idx.msk $0xffff, v62  }
0x24f: {  	s25 =	sadd.s32 $0x1, s25;
	[tilespmem:v19+s22+$0x0] =	vst.idx.msk $0xffff, v63  }
0x250: {  	[hbm4b:s12+s4] =	stream.linear.scatter [tilespmem:s22], [sflag:$0x4], $0x4000, $0x38;
	[tilespmem:$0x10D00] =	vst v63  }
0x251: {  	p0 =	sne.s32 s25, s13;
	_ =	swait.ge [sflag:s23], $0x4000  }
.Ltmp8:
0x252: {  	[sflag:s23] =	ssyncset.done $0x0;
	(pc) =	sbr.rel @p0 .LBB2_1-.Ltmp8, $4  }
0x253: {  	[sflag:s23] =	ssyncadd.s32 $0xFFFFC000  }
0x254: {  	_ =	swait.ge [sflag:s24], $0x4000  }
0x255: {  	[sflag:s24] =	ssyncset.done $0x0  }
0x256: {  	[sflag:s24] =	ssyncadd.s32 $0xFFFFC000  }
0x257: {  	_ =	sfence.sel $0x180000  }
0x258: {  	[bflag:$0x0] =	sbarrier.arrive $0xFFFF  }
0x259: {  	_ =	strace $0x90000047  }
0x25a: {  	s0 =	stileid.u32;
	[bflag:$0x2] =	sbarrier.arrive $0xFFFF  }
0x25b: {  	p0 =	sne.s32 s0, $0x0;
	s0 =	rddreg [dreg:$0x3]  }
0x25c: {  	s0 =	sadd.s32 @!p0 $0x100000, s0  }
0x25d: {  	[sflag:s0] =	ssyncadd.tile.s32 @!p0 $0x1;
	_ =	shalt  }
.Lfunc_end2:
_tile_overlayer_lowered:
.L_overlay_start_2:
0x25e: {  	(tag) =	ssettag $0x2  }
0x25f: {  	s0 =	rddreg [dreg:$0x0];
	s2 =	stileid.u32  }
0x260: {  	s1 =	rddreg [dreg:$0x1];
	p0 =	sne.s32 s2, $0x0  }
0x261: {  	s3 =	rddreg [dreg:$0x2];
	[bflag:$0x3] =	sbarrier.arrive $0xFFFF;
	s2 =	simm.s32 @!p0 $0x1C05  }
0x262: {  	[timem:s3], [sflag:s2] =	dma.local @!p0 [hbm:s0], s1  }
0x263: {  	s0 =	simm.s32 @!p0 $0x5  }
0x264: {  	_ =	swait.ge @!p0 [sflag:s0], s1  }
0x265: {  	s1 =	ssub.s32 @!p0 $0x0, s1;
	[sflag:s0] =	ssyncset.done @!p0 $0x0  }
0x266: {  	[sflag:s0] =	ssyncadd.s32 @!p0 s1  }
0x267: {  	[bflag:$0x3] =	sbarrier.arrive $0xFFFF  }
0x268: {  	_ =	shalt  }

</sc_bundles>
